<compile_context>
chip_gen: v7x
topology: tpu7x:2x2x1
jax: 0.10.2.dev20260603
libtpu: 0.0.44.dev20260713+nightly
codegen_flags: <defaults>
</compile_context>

<pallas_src>
import functools
import math

import jax
import jax.numpy as jnp
import numpy as np
from jax import lax
from jax.experimental import pallas as pl
from jax.experimental.pallas import tpu as pltpu
from jax.experimental.pallas import tpu_sc as plsc

N = 100000
E = 1600000
D = 16
NB = 10
MAX_RADIUS = 5.0

EB = 8000
NW = 32
PER_W = E // NW
CHUNK = 80
NBUF = 5
NCHUNK = PER_W // CHUNK

_VALS = np.linspace(0.0, MAX_RADIUS, NB + 2, dtype=np.float32)[1:-1]
_STEP = float(_VALS[1] - _VALS[0])

_C1 = -0.5
_C2 = 1.0 / 24.0
_C3 = -1.0 / 720.0
_C4 = 1.0 / 40320.0
_C5 = -1.0 / 3628800.0
_HPI2 = (0.5 * math.pi) ** 2


def _coeff_body(ev_ref, b16_ref, b48_ref, w1_ref, b1_ref, w2_ref, b2_ref,
                out_ref):
    ev = ev_ref[...]
    sq = ev * ev
    sq_hi = sq.astype(jnp.bfloat16).astype(jnp.float32)
    r2 = (jnp.dot(sq_hi, b16_ref[...], preferred_element_type=jnp.float32)
          + jnp.dot(sq - sq_hi, b16_ref[...],
                    preferred_element_type=jnp.float32))
    r16 = jnp.sqrt(r2)
    inv16 = (3.0 ** 0.5) / (r16 + 1e-12)
    kk = lax.broadcasted_iota(jnp.int32, (1, 16), 1).astype(jnp.float32)
    diff = r16 * (1.0 / _STEP) - (kk + 1.0)
    mask = (diff > -1.0) & (diff < 1.0)
    d = jnp.clip(diff, -1.0, 1.0)
    t = (_HPI2) * (d * d)
    emb = 1.0 + t * (_C1 + t * (_C2 + t * (_C3 + t * (_C4 + t * _C5))))
    emb = jnp.where(mask, emb, 0.0) * (NB ** 0.5)
    h = jnp.maximum(
        jnp.dot(emb, w1_ref[...], preferred_element_type=jnp.float32)
        + b1_ref[...], 0.0)
    w = (jnp.dot(h, w2_ref[...], preferred_element_type=jnp.float32)
         + b2_ref[...])
    ev_hi = ev.astype(jnp.bfloat16).astype(jnp.float32)
    ev48 = (jnp.dot(ev_hi, b48_ref[...], preferred_element_type=jnp.float32)
            + jnp.dot(ev - ev_hi, b48_ref[...],
                      preferred_element_type=jnp.float32))
    tmp = ev48 * w[:, 16:64]
    out_ref[...] = (w[:, 0:16]
                    + inv16 * (tmp[:, 0:16] + tmp[:, 16:32] + tmp[:, 32:48]))


def _coeff_tc(edge_vec, b16, b48, w1p, b1p, w2p, b2p):
    return pl.pallas_call(
        _coeff_body,
        grid=(E // EB,),
        in_specs=[
            pl.BlockSpec((EB, 3), lambda i: (i, 0)),
            pl.BlockSpec((3, 16), lambda i: (0, 0)),
            pl.BlockSpec((3, 48), lambda i: (0, 0)),
            pl.BlockSpec((16, 128), lambda i: (0, 0)),
            pl.BlockSpec((1, 128), lambda i: (0, 0)),
            pl.BlockSpec((128, 64), lambda i: (0, 0)),
            pl.BlockSpec((1, 64), lambda i: (0, 0)),
        ],
        out_specs=pl.BlockSpec((EB, 16), lambda i: (i, 0)),
        out_shape=jax.ShapeDtypeStruct((E, 16), jnp.float32),
    )(edge_vec, b16, b48, w1p, b1p, w2p, b2p)


def _sc_body(src_hbm, coeff_hbm, x_hbm, out_hbm, idx_v, xg_v, cf_v, acc_v,
             *sems):
    cid = lax.axis_index("c")
    sid = lax.axis_index("s")
    wid = sid * 2 + cid
    base = wid * PER_W
    pltpu.sync_copy(src_hbm.at[pl.ds(base, PER_W)], idx_v)

    def start(ch, b):
        off = ch * CHUNK
        pltpu.async_copy(x_hbm.at[idx_v.at[pl.ds(off, CHUNK)]],
                         xg_v.at[b], sems[b])
        pltpu.async_copy(coeff_hbm.at[pl.ds(base + off, CHUNK)],
                         cf_v.at[b], sems[NBUF + b])

    def wait(b):
        pltpu.make_async_copy(x_hbm.at[pl.ds(0, CHUNK)],
                              xg_v.at[b], sems[b]).wait()
        pltpu.make_async_copy(coeff_hbm.at[pl.ds(0, CHUNK)],
                              cf_v.at[b], sems[NBUF + b]).wait()

    for b in range(NBUF):
        start(b, b)

    def grp(g, acc):
        for b in range(NBUF):
            ch = g * NBUF + b
            wait(b)

            def fma(i, a, _b=b):
                return a + cf_v[_b, i, :] * xg_v[_b, i, :]

            acc = lax.fori_loop(0, CHUNK, fma, acc)

            @pl.when(ch + NBUF < NCHUNK)
            def _(ch=ch, b=b):
                start(ch + NBUF, b)
        return acc

    acc = lax.fori_loop(0, NCHUNK // NBUF, grp,
                        jnp.zeros((16,), jnp.float32))
    acc_v[...] = acc
    pltpu.sync_copy(acc_v, out_hbm.at[wid])


def _sc_reduce(src, coeff, x):
    mesh = plsc.VectorSubcoreMesh(core_axis_name="c", subcore_axis_name="s")
    kfn = pl.kernel(
        _sc_body,
        mesh=mesh,
        compiler_params=pltpu.CompilerParams(use_tc_tiling_on_sc=False),
        out_type=jax.ShapeDtypeStruct((NW, 16), jnp.float32),
        scratch_types=[
            pltpu.VMEM((PER_W,), jnp.int32),
            pltpu.VMEM((NBUF, CHUNK, 16), jnp.float32),
            pltpu.VMEM((NBUF, CHUNK, 16), jnp.float32),
            pltpu.VMEM((16,), jnp.float32),
        ] + [pltpu.SemaphoreType.DMA] * (2 * NBUF),
    )
    return kfn(src, coeff, x)


NBC = 10000


def _final_body(x_ref, p_ref, ws_ref, wo_ref, f_ref, out_ref):
    i = pl.program_id(0)
    ps = jnp.sum(x_ref[...], axis=0, keepdims=True)

    @pl.when(i == 0)
    def _():
        out_ref[...] = ps

    @pl.when(i > 0)
    def _():
        out_ref[...] = out_ref[...] + ps

    @pl.when(i == pl.num_programs(0) - 1)
    def _():
        sx = out_ref[...]
        t = jnp.sum(p_ref[...], axis=0, keepdims=True)
        y = (jnp.dot(sx, ws_ref[...], preferred_element_type=jnp.float32)
             + 0.25 * jnp.dot(t, wo_ref[...],
                              preferred_element_type=jnp.float32))
        out_ref[...] = y * f_ref[...]


def _final_tc(x, partials, w_self, w_out, factor2d):
    return pl.pallas_call(
        _final_body,
        grid=(N // NBC,),
        in_specs=[
            pl.BlockSpec((NBC, 16), lambda i: (i, 0)),
            pl.BlockSpec((NW, 16), lambda i: (0, 0)),
            pl.BlockSpec((16, 16), lambda i: (0, 0)),
            pl.BlockSpec((16, 16), lambda i: (0, 0)),
            pl.BlockSpec((1, 1), lambda i: (0, 0)),
        ],
        out_specs=pl.BlockSpec((1, 16), lambda i: (0, 0)),
        out_shape=jax.ShapeDtypeStruct((1, 16), jnp.float32),
    )(x, partials, w_self, w_out, factor2d)


def kernel(pos, x, edge_index, edge_vec, batch, W_fc1, b_fc1, W_fc2, b_fc2,
           W_self, W_out, factor):
    w1p = jnp.zeros((16, 128), jnp.float32).at[:NB, :100].set(W_fc1)
    b1p = jnp.zeros((1, 128), jnp.float32).at[0, :100].set(b_fc1)
    w2p = jnp.zeros((128, 64), jnp.float32).at[:100, :].set(W_fc2)
    b2p = b_fc2.reshape(1, 64)
    b16 = jnp.ones((3, 16), jnp.float32)
    b48 = jnp.zeros((3, 48), jnp.float32)
    for a in range(3):
        b48 = b48.at[a, 16 * a:16 * (a + 1)].set(1.0)
    coeff = _coeff_tc(edge_vec, b16, b48, w1p, b1p, w2p, b2p)
    partials = _sc_reduce(edge_index[0], coeff, x)
    y = _final_tc(x, partials, W_self, W_out, factor.reshape(1, 1))
    return y

# --- scband reference (transcript-rebuilt; emitter-appended) ---
"""Pipeline reference for scband-simple-network-25821343384203 (READ-ONLY COPY).

The authoritative reference and input builder live on the scoring server;
editing this copy changes nothing except your own understanding.
"""

import jax, jax.numpy as jnp
import numpy as np

N = 100000
E = 1600000
D = 16
NB = 10
MAX_RADIUS = 5.0
NUM_NEIGHBORS = 16.0
HID = 100
SH_DIM = 4  # lmax=1 -> 1 (l=0) + 3 (l=1)


def setup_inputs(seed: int = 0) -> dict:
    key = jax.random.key(seed)
    ks = jax.random.split(key, 12)
    pos = jax.random.normal(ks[0], (N, 3), dtype=jnp.float32) * 10.0
    x = jax.random.normal(ks[1], (N, D), dtype=jnp.float32)
    edge_index = jax.random.randint(ks[2], (2, E), 0, N, dtype=jnp.int32)
    edge_vec = jax.random.normal(ks[3], (E, 3), dtype=jnp.float32)
    batch = jnp.zeros((N,), dtype=jnp.int32)
    W_fc1 = jax.random.normal(ks[4], (NB, HID), dtype=jnp.float32) * (1.0 / np.sqrt(NB))
    b_fc1 = jnp.zeros((HID,), dtype=jnp.float32)
    W_fc2 = jax.random.normal(ks[5], (HID, SH_DIM * D), dtype=jnp.float32) * (1.0 / np.sqrt(HID))
    b_fc2 = jnp.zeros((SH_DIM * D,), dtype=jnp.float32)
    W_self = jax.random.normal(ks[6], (D, D), dtype=jnp.float32) * (1.0 / np.sqrt(D))
    W_out = jax.random.normal(ks[7], (D, D), dtype=jnp.float32) * (1.0 / np.sqrt(D))
    factor = jnp.ones((1,), dtype=jnp.float32)
    return {"pos": pos, "x": x, "edge_index": edge_index, "edge_vec": edge_vec,
            "batch": batch, "W_fc1": W_fc1, "b_fc1": b_fc1, "W_fc2": W_fc2,
            "b_fc2": b_fc2, "W_self": W_self, "W_out": W_out, "factor": factor}


def _spherical_harmonics_l1(edge_vec):
    # e3nn component normalization: l=0 -> 1, l=1 -> sqrt(3) * r_hat
    edge_len = jnp.linalg.norm(edge_vec, axis=1)
    unit = edge_vec / (edge_len[:, None] + 1e-12)
    sh = jnp.concatenate([jnp.ones((edge_vec.shape[0], 1), dtype=edge_vec.dtype),
                          jnp.sqrt(3.0) * unit], axis=1)
    return sh, edge_len


def _soft_one_hot_cosine(edge_len):
    # soft_one_hot_linspace(basis='cosine', cutoff=True), scaled by sqrt(number_of_basis)
    values = jnp.linspace(0.0, MAX_RADIUS, NB + 2)[1:-1]
    step = values[1] - values[0]
    diff = (edge_len[:, None] - values[None, :]) / step
    emb = jnp.cos(0.5 * jnp.pi * diff) * ((diff > -1.0) & (diff < 1.0)).astype(edge_len.dtype)
    return emb * (NB ** 0.5)


def reference(pos, x, edge_index, edge_vec, batch, W_fc1, b_fc1, W_fc2, b_fc2, W_self, W_out, factor):
    edge_src = edge_index[0]
    edge_dst = edge_index[1]
    sh, edge_len = _spherical_harmonics_l1(edge_vec)
    emb = _soft_one_hot_cosine(edge_len)
    # fc_neurons=[10, 100] -> tensor-product weights per edge
    h = jax.nn.relu(emb @ W_fc1 + b_fc1)
    w = (h @ W_fc2 + b_fc2).reshape(-1, SH_DIM, D)
    # gather source node features along edges
    feat_src = jnp.take(x, edge_src, axis=0)
    # edge-wise weighted tensor product with spherical harmonics
    msg = jnp.einsum('ek,ekc->ec', sh, w) * feat_src
    # scatter-add messages into destination nodes, normalize by sqrt(num_neighbors)
    agg = jax.ops.segment_sum(msg, edge_dst, num_segments=N) / jnp.sqrt(NUM_NEIGHBORS)
    nodes = x @ W_self + agg @ W_out
    # pool_nodes=True: scatter over batch (single graph), div by sqrt(num_nodes=1)
    pooled = jax.ops.segment_sum(nodes, batch, num_segments=1)
    y = pooled * factor
    return y

if __name__ == "__main__":
    import jax
    _d = setup_inputs()
    print(jax.jit(kernel)(*tuple(_d.values())))

</pallas_src>

<mosaic_0001>
#map = affine_map<(d0, d1) -> (0)>
#map1 = affine_map<(d0, d1) -> (0, 0)>
module attributes {stable_mosaic.version = 14 : i64} {
  func.func @_sc_body(%arg0: i32, %arg1: i32, %arg2: memref<1600000xi32, #tpu.memory_space<hbm>>, %arg3: memref<1600000x16xf32, #tpu.memory_space<hbm>>, %arg4: memref<100000x16xf32, #tpu.memory_space<hbm>>, %arg5: memref<32x16xf32, #tpu.memory_space<hbm>>, %arg6: memref<50000xi32, #tpu.memory_space<vmem>>, %arg7: memref<5x80x16xf32, #tpu.memory_space<vmem>>, %arg8: memref<5x80x16xf32, #tpu.memory_space<vmem>>, %arg9: memref<16xf32, #tpu.memory_space<vmem>>, %arg10: memref<!tpu.dma_semaphore, #tpu.memory_space<semaphore_mem>>, %arg11: memref<!tpu.dma_semaphore, #tpu.memory_space<semaphore_mem>>, %arg12: memref<!tpu.dma_semaphore, #tpu.memory_space<semaphore_mem>>, %arg13: memref<!tpu.dma_semaphore, #tpu.memory_space<semaphore_mem>>, %arg14: memref<!tpu.dma_semaphore, #tpu.memory_space<semaphore_mem>>, %arg15: memref<!tpu.dma_semaphore, #tpu.memory_space<semaphore_mem>>, %arg16: memref<!tpu.dma_semaphore, #tpu.memory_space<semaphore_mem>>, %arg17: memref<!tpu.dma_semaphore, #tpu.memory_space<semaphore_mem>>, %arg18: memref<!tpu.dma_semaphore, #tpu.memory_space<semaphore_mem>>, %arg19: memref<!tpu.dma_semaphore, #tpu.memory_space<semaphore_mem>>) attributes {dimension_semantics = [#tpu.dimension_semantics<core_parallel>, #tpu.dimension_semantics<subcore_parallel>], iteration_bounds = array<i64: 2, 16>, scalar_prefetch = 0 : i64, scratch_operands = 14 : i64, tpu.core_type = #tpu.core_type<sc_vector_subcore>, window_params = [{transform_indices = #map}, {transform_indices = #map1}, {transform_indices = #map1}, {transform_indices = #map1}]} {
    %mul3A = arith.constant 2 : i32
    %mul3A_0 = arith.muli %arg1, %mul3A : i32
    %add3A = arith.addi %mul3A_0, %arg0 : i32
    %mul3A_1 = arith.constant 50000 : i32
    %mul3A_2 = arith.muli %add3A, %mul3A_1 : i32
    "tpu.region"() ({
      %run_scoped3A = tpu.sem_alloc : memref<!tpu.dma_semaphore, #tpu.memory_space<semaphore_mem>>
      %dma_start3A_136 = tpu.memref_slice %arg2[%mul3A_2] : memref<1600000xi32, #tpu.memory_space<hbm>> -> memref<50000xi32, #tpu.memory_space<hbm>>
      %dma_start3A_137 = tpu.memref_slice %arg2[%mul3A_2] : memref<1600000xi32, #tpu.memory_space<hbm>> -> memref<50000xi32, #tpu.memory_space<hbm>>
      tpu.enqueue_dma source(%dma_start3A_137 : memref<50000xi32, #tpu.memory_space<hbm>>) target(%arg6 : memref<50000xi32, #tpu.memory_space<vmem>>) target_semaphore(%run_scoped3A : memref<!tpu.dma_semaphore, #tpu.memory_space<semaphore_mem>>)
      %dma_wait3A = tpu.memref_slice %arg2[%mul3A_2] : memref<1600000xi32, #tpu.memory_space<hbm>> -> memref<50000xi32, #tpu.memory_space<hbm>>
      %dma_wait3A_138 = tpu.memref_slice %arg2[%mul3A_2] : memref<1600000xi32, #tpu.memory_space<hbm>> -> memref<50000xi32, #tpu.memory_space<hbm>>
      tpu.wait_dma2 semaphore(%run_scoped3A : memref<!tpu.dma_semaphore, #tpu.memory_space<semaphore_mem>>) src(%dma_wait3A_138 : memref<50000xi32, #tpu.memory_space<hbm>>) dst(%arg6 : memref<50000xi32, #tpu.memory_space<vmem>>)
      tpu.yield
    }) : () -> ()
    %dma_start3A = arith.constant 0 : i32
    %dma_start3A_3 = arith.constant 0 : i32
    %dma_start3A_4 = arith.constant 0 : i32
    %dma_start3A_5 = tpu.memref_slice %arg7[%dma_start3A, %dma_start3A_3, %dma_start3A_4] : memref<5x80x16xf32, #tpu.memory_space<vmem>> -> memref<1x80x16xf32, #tpu.memory_space<vmem>>
    %dma_start3A_6 = tpu.memref_squeeze %dma_start3A_5 : memref<1x80x16xf32, #tpu.memory_space<vmem>> -> memref<80x16xf32, #tpu.memory_space<vmem>>
    %dma_start3A_7 = arith.constant 0 : i32
    %dma_start3A_8 = tpu.memref_slice %arg6[%dma_start3A_7] : memref<50000xi32, #tpu.memory_space<vmem>> -> memref<80xi32, #tpu.memory_space<vmem>>
    %dma_start3A_9 = arith.constant 0 : i32
    %dma_start3A_10 = arith.constant 0 : i32
    %dma_start3A_11 = tpu.memref_slice %arg4[%dma_start3A_9, %dma_start3A_10] : memref<100000x16xf32, #tpu.memory_space<hbm>> -> memref<100000x16xf32, #tpu.memory_space<hbm>>
    tpu.enqueue_indirect_dma source(%dma_start3A_11 : memref<100000x16xf32, #tpu.memory_space<hbm>>) target(%dma_start3A_6 : memref<80x16xf32, #tpu.memory_space<vmem>>) offsets(%dma_start3A_8 : memref<80xi32, #tpu.memory_space<vmem>>) semaphore(%arg10 : memref<!tpu.dma_semaphore, #tpu.memory_space<semaphore_mem>>)
    %add3A_12 = arith.constant 0 : i32
    %add3A_13 = arith.addi %mul3A_2, %add3A_12 : i32
    %dma_start3A_14 = arith.constant 0 : i32
    %dma_start3A_15 = arith.constant 0 : i32
    %dma_start3A_16 = arith.constant 0 : i32
    %dma_start3A_17 = tpu.memref_slice %arg8[%dma_start3A_14, %dma_start3A_15, %dma_start3A_16] : memref<5x80x16xf32, #tpu.memory_space<vmem>> -> memref<1x80x16xf32, #tpu.memory_space<vmem>>
    %dma_start3A_18 = tpu.memref_squeeze %dma_start3A_17 : memref<1x80x16xf32, #tpu.memory_space<vmem>> -> memref<80x16xf32, #tpu.memory_space<vmem>>
    %dma_start3A_19 = arith.constant 0 : i32
    %dma_start3A_20 = tpu.memref_slice %arg3[%add3A_13, %dma_start3A_19] : memref<1600000x16xf32, #tpu.memory_space<hbm>> -> memref<80x16xf32, #tpu.memory_space<hbm>>
    %dma_start3A_21 = arith.constant 0 : i32
    %dma_start3A_22 = arith.constant 0 : i32
    %dma_start3A_23 = tpu.memref_slice %arg8[%dma_start3A_14, %dma_start3A_21, %dma_start3A_22] : memref<5x80x16xf32, #tpu.memory_space<vmem>> -> memref<1x80x16xf32, #tpu.memory_space<vmem>>
    %dma_start3A_24 = tpu.memref_squeeze %dma_start3A_23 : memref<1x80x16xf32, #tpu.memory_space<vmem>> -> memref<80x16xf32, #tpu.memory_space<vmem>>
    %dma_start3A_25 = arith.constant 0 : i32
    %dma_start3A_26 = tpu.memref_slice %arg3[%add3A_13, %dma_start3A_25] : memref<1600000x16xf32, #tpu.memory_space<hbm>> -> memref<80x16xf32, #tpu.memory_space<hbm>>
    tpu.enqueue_dma source(%dma_start3A_26 : memref<80x16xf32, #tpu.memory_space<hbm>>) target(%dma_start3A_24 : memref<80x16xf32, #tpu.memory_space<vmem>>) target_semaphore(%arg15 : memref<!tpu.dma_semaphore, #tpu.memory_space<semaphore_mem>>)
    %dma_start3A_27 = arith.constant 1 : i32
    %dma_start3A_28 = arith.constant 0 : i32
    %dma_start3A_29 = arith.constant 0 : i32
    %dma_start3A_30 = tpu.memref_slice %arg7[%dma_start3A_27, %dma_start3A_28, %dma_start3A_29] : memref<5x80x16xf32, #tpu.memory_space<vmem>> -> memref<1x80x16xf32, #tpu.memory_space<vmem>>
    %dma_start3A_31 = tpu.memref_squeeze %dma_start3A_30 : memref<1x80x16xf32, #tpu.memory_space<vmem>> -> memref<80x16xf32, #tpu.memory_space<vmem>>
    %dma_start3A_32 = arith.constant 80 : i32
    %dma_start3A_33 = tpu.memref_slice %arg6[%dma_start3A_32] : memref<50000xi32, #tpu.memory_space<vmem>> -> memref<80xi32, #tpu.memory_space<vmem>>
    %dma_start3A_34 = arith.constant 0 : i32
    %dma_start3A_35 = arith.constant 0 : i32
    %dma_start3A_36 = tpu.memref_slice %arg4[%dma_start3A_34, %dma_start3A_35] : memref<100000x16xf32, #tpu.memory_space<hbm>> -> memref<100000x16xf32, #tpu.memory_space<hbm>>
    tpu.enqueue_indirect_dma source(%dma_start3A_36 : memref<100000x16xf32, #tpu.memory_space<hbm>>) target(%dma_start3A_31 : memref<80x16xf32, #tpu.memory_space<vmem>>) offsets(%dma_start3A_33 : memref<80xi32, #tpu.memory_space<vmem>>) semaphore(%arg11 : memref<!tpu.dma_semaphore, #tpu.memory_space<semaphore_mem>>)
    %add3A_37 = arith.constant 80 : i32
    %add3A_38 = arith.addi %mul3A_2, %add3A_37 : i32
    %dma_start3A_39 = arith.constant 1 : i32
    %dma_start3A_40 = arith.constant 0 : i32
    %dma_start3A_41 = arith.constant 0 : i32
    %dma_start3A_42 = tpu.memref_slice %arg8[%dma_start3A_39, %dma_start3A_40, %dma_start3A_41] : memref<5x80x16xf32, #tpu.memory_space<vmem>> -> memref<1x80x16xf32, #tpu.memory_space<vmem>>
    %dma_start3A_43 = tpu.memref_squeeze %dma_start3A_42 : memref<1x80x16xf32, #tpu.memory_space<vmem>> -> memref<80x16xf32, #tpu.memory_space<vmem>>
    %dma_start3A_44 = arith.constant 0 : i32
    %dma_start3A_45 = tpu.memref_slice %arg3[%add3A_38, %dma_start3A_44] : memref<1600000x16xf32, #tpu.memory_space<hbm>> -> memref<80x16xf32, #tpu.memory_space<hbm>>
    %dma_start3A_46 = arith.constant 0 : i32
    %dma_start3A_47 = arith.constant 0 : i32
    %dma_start3A_48 = tpu.memref_slice %arg8[%dma_start3A_39, %dma_start3A_46, %dma_start3A_47] : memref<5x80x16xf32, #tpu.memory_space<vmem>> -> memref<1x80x16xf32, #tpu.memory_space<vmem>>
    %dma_start3A_49 = tpu.memref_squeeze %dma_start3A_48 : memref<1x80x16xf32, #tpu.memory_space<vmem>> -> memref<80x16xf32, #tpu.memory_space<vmem>>
    %dma_start3A_50 = arith.constant 0 : i32
    %dma_start3A_51 = tpu.memref_slice %arg3[%add3A_38, %dma_start3A_50] : memref<1600000x16xf32, #tpu.memory_space<hbm>> -> memref<80x16xf32, #tpu.memory_space<hbm>>
    tpu.enqueue_dma source(%dma_start3A_51 : memref<80x16xf32, #tpu.memory_space<hbm>>) target(%dma_start3A_49 : memref<80x16xf32, #tpu.memory_space<vmem>>) target_semaphore(%arg16 : memref<!tpu.dma_semaphore, #tpu.memory_space<semaphore_mem>>)
    %dma_start3A_52 = arith.constant 2 : i32
    %dma_start3A_53 = arith.constant 0 : i32
    %dma_start3A_54 = arith.constant 0 : i32
    %dma_start3A_55 = tpu.memref_slice %arg7[%dma_start3A_52, %dma_start3A_53, %dma_start3A_54] : memref<5x80x16xf32, #tpu.memory_space<vmem>> -> memref<1x80x16xf32, #tpu.memory_space<vmem>>
    %dma_start3A_56 = tpu.memref_squeeze %dma_start3A_55 : memref<1x80x16xf32, #tpu.memory_space<vmem>> -> memref<80x16xf32, #tpu.memory_space<vmem>>
    %dma_start3A_57 = arith.constant 160 : i32
    %dma_start3A_58 = tpu.memref_slice %arg6[%dma_start3A_57] : memref<50000xi32, #tpu.memory_space<vmem>> -> memref<80xi32, #tpu.memory_space<vmem>>
    %dma_start3A_59 = arith.constant 0 : i32
    %dma_start3A_60 = arith.constant 0 : i32
    %dma_start3A_61 = tpu.memref_slice %arg4[%dma_start3A_59, %dma_start3A_60] : memref<100000x16xf32, #tpu.memory_space<hbm>> -> memref<100000x16xf32, #tpu.memory_space<hbm>>
    tpu.enqueue_indirect_dma source(%dma_start3A_61 : memref<100000x16xf32, #tpu.memory_space<hbm>>) target(%dma_start3A_56 : memref<80x16xf32, #tpu.memory_space<vmem>>) offsets(%dma_start3A_58 : memref<80xi32, #tpu.memory_space<vmem>>) semaphore(%arg12 : memref<!tpu.dma_semaphore, #tpu.memory_space<semaphore_mem>>)
    %add3A_62 = arith.constant 160 : i32
    %add3A_63 = arith.addi %mul3A_2, %add3A_62 : i32
    %dma_start3A_64 = arith.constant 2 : i32
    %dma_start3A_65 = arith.constant 0 : i32
    %dma_start3A_66 = arith.constant 0 : i32
    %dma_start3A_67 = tpu.memref_slice %arg8[%dma_start3A_64, %dma_start3A_65, %dma_start3A_66] : memref<5x80x16xf32, #tpu.memory_space<vmem>> -> memref<1x80x16xf32, #tpu.memory_space<vmem>>
    %dma_start3A_68 = tpu.memref_squeeze %dma_start3A_67 : memref<1x80x16xf32, #tpu.memory_space<vmem>> -> memref<80x16xf32, #tpu.memory_space<vmem>>
    %dma_start3A_69 = arith.constant 0 : i32
    %dma_start3A_70 = tpu.memref_slice %arg3[%add3A_63, %dma_start3A_69] : memref<1600000x16xf32, #tpu.memory_space<hbm>> -> memref<80x16xf32, #tpu.memory_space<hbm>>
    %dma_start3A_71 = arith.constant 0 : i32
    %dma_start3A_72 = arith.constant 0 : i32
    %dma_start3A_73 = tpu.memref_slice %arg8[%dma_start3A_64, %dma_start3A_71, %dma_start3A_72] : memref<5x80x16xf32, #tpu.memory_space<vmem>> -> memref<1x80x16xf32, #tpu.memory_space<vmem>>
    %dma_start3A_74 = tpu.memref_squeeze %dma_start3A_73 : memref<1x80x16xf32, #tpu.memory_space<vmem>> -> memref<80x16xf32, #tpu.memory_space<vmem>>
    %dma_start3A_75 = arith.constant 0 : i32
    %dma_start3A_76 = tpu.memref_slice %arg3[%add3A_63, %dma_start3A_75] : memref<1600000x16xf32, #tpu.memory_space<hbm>> -> memref<80x16xf32, #tpu.memory_space<hbm>>
    tpu.enqueue_dma source(%dma_start3A_76 : memref<80x16xf32, #tpu.memory_space<hbm>>) target(%dma_start3A_74 : memref<80x16xf32, #tpu.memory_space<vmem>>) target_semaphore(%arg17 : memref<!tpu.dma_semaphore, #tpu.memory_space<semaphore_mem>>)
    %dma_start3A_77 = arith.constant 3 : i32
    %dma_start3A_78 = arith.constant 0 : i32
    %dma_start3A_79 = arith.constant 0 : i32
    %dma_start3A_80 = tpu.memref_slice %arg7[%dma_start3A_77, %dma_start3A_78, %dma_start3A_79] : memref<5x80x16xf32, #tpu.memory_space<vmem>> -> memref<1x80x16xf32, #tpu.memory_space<vmem>>
    %dma_start3A_81 = tpu.memref_squeeze %dma_start3A_80 : memref<1x80x16xf32, #tpu.memory_space<vmem>> -> memref<80x16xf32, #tpu.memory_space<vmem>>
    %dma_start3A_82 = arith.constant 240 : i32
    %dma_start3A_83 = tpu.memref_slice %arg6[%dma_start3A_82] : memref<50000xi32, #tpu.memory_space<vmem>> -> memref<80xi32, #tpu.memory_space<vmem>>
    %dma_start3A_84 = arith.constant 0 : i32
    %dma_start3A_85 = arith.constant 0 : i32
    %dma_start3A_86 = tpu.memref_slice %arg4[%dma_start3A_84, %dma_start3A_85] : memref<100000x16xf32, #tpu.memory_space<hbm>> -> memref<100000x16xf32, #tpu.memory_space<hbm>>
    tpu.enqueue_indirect_dma source(%dma_start3A_86 : memref<100000x16xf32, #tpu.memory_space<hbm>>) target(%dma_start3A_81 : memref<80x16xf32, #tpu.memory_space<vmem>>) offsets(%dma_start3A_83 : memref<80xi32, #tpu.memory_space<vmem>>) semaphore(%arg13 : memref<!tpu.dma_semaphore, #tpu.memory_space<semaphore_mem>>)
    %add3A_87 = arith.constant 240 : i32
    %add3A_88 = arith.addi %mul3A_2, %add3A_87 : i32
    %dma_start3A_89 = arith.constant 3 : i32
    %dma_start3A_90 = arith.constant 0 : i32
    %dma_start3A_91 = arith.constant 0 : i32
    %dma_start3A_92 = tpu.memref_slice %arg8[%dma_start3A_89, %dma_start3A_90, %dma_start3A_91] : memref<5x80x16xf32, #tpu.memory_space<vmem>> -> memref<1x80x16xf32, #tpu.memory_space<vmem>>
    %dma_start3A_93 = tpu.memref_squeeze %dma_start3A_92 : memref<1x80x16xf32, #tpu.memory_space<vmem>> -> memref<80x16xf32, #tpu.memory_space<vmem>>
    %dma_start3A_94 = arith.constant 0 : i32
    %dma_start3A_95 = tpu.memref_slice %arg3[%add3A_88, %dma_start3A_94] : memref<1600000x16xf32, #tpu.memory_space<hbm>> -> memref<80x16xf32, #tpu.memory_space<hbm>>
    %dma_start3A_96 = arith.constant 0 : i32
    %dma_start3A_97 = arith.constant 0 : i32
    %dma_start3A_98 = tpu.memref_slice %arg8[%dma_start3A_89, %dma_start3A_96, %dma_start3A_97] : memref<5x80x16xf32, #tpu.memory_space<vmem>> -> memref<1x80x16xf32, #tpu.memory_space<vmem>>
    %dma_start3A_99 = tpu.memref_squeeze %dma_start3A_98 : memref<1x80x16xf32, #tpu.memory_space<vmem>> -> memref<80x16xf32, #tpu.memory_space<vmem>>
    %dma_start3A_100 = arith.constant 0 : i32
    %dma_start3A_101 = tpu.memref_slice %arg3[%add3A_88, %dma_start3A_100] : memref<1600000x16xf32, #tpu.memory_space<hbm>> -> memref<80x16xf32, #tpu.memory_space<hbm>>
    tpu.enqueue_dma source(%dma_start3A_101 : memref<80x16xf32, #tpu.memory_space<hbm>>) target(%dma_start3A_99 : memref<80x16xf32, #tpu.memory_space<vmem>>) target_semaphore(%arg18 : memref<!tpu.dma_semaphore, #tpu.memory_space<semaphore_mem>>)
    %dma_start3A_102 = arith.constant 4 : i32
    %dma_start3A_103 = arith.constant 0 : i32
    %dma_start3A_104 = arith.constant 0 : i32
    %dma_start3A_105 = tpu.memref_slice %arg7[%dma_start3A_102, %dma_start3A_103, %dma_start3A_104] : memref<5x80x16xf32, #tpu.memory_space<vmem>> -> memref<1x80x16xf32, #tpu.memory_space<vmem>>
    %dma_start3A_106 = tpu.memref_squeeze %dma_start3A_105 : memref<1x80x16xf32, #tpu.memory_space<vmem>> -> memref<80x16xf32, #tpu.memory_space<vmem>>
    %dma_start3A_107 = arith.constant 320 : i32
    %dma_start3A_108 = tpu.memref_slice %arg6[%dma_start3A_107] : memref<50000xi32, #tpu.memory_space<vmem>> -> memref<80xi32, #tpu.memory_space<vmem>>
    %dma_start3A_109 = arith.constant 0 : i32
    %dma_start3A_110 = arith.constant 0 : i32
    %dma_start3A_111 = tpu.memref_slice %arg4[%dma_start3A_109, %dma_start3A_110] : memref<100000x16xf32, #tpu.memory_space<hbm>> -> memref<100000x16xf32, #tpu.memory_space<hbm>>
    tpu.enqueue_indirect_dma source(%dma_start3A_111 : memref<100000x16xf32, #tpu.memory_space<hbm>>) target(%dma_start3A_106 : memref<80x16xf32, #tpu.memory_space<vmem>>) offsets(%dma_start3A_108 : memref<80xi32, #tpu.memory_space<vmem>>) semaphore(%arg14 : memref<!tpu.dma_semaphore, #tpu.memory_space<semaphore_mem>>)
    %add3A_112 = arith.constant 320 : i32
    %add3A_113 = arith.addi %mul3A_2, %add3A_112 : i32
    %dma_start3A_114 = arith.constant 4 : i32
    %dma_start3A_115 = arith.constant 0 : i32
    %dma_start3A_116 = arith.constant 0 : i32
    %dma_start3A_117 = tpu.memref_slice %arg8[%dma_start3A_114, %dma_start3A_115, %dma_start3A_116] : memref<5x80x16xf32, #tpu.memory_space<vmem>> -> memref<1x80x16xf32, #tpu.memory_space<vmem>>
    %dma_start3A_118 = tpu.memref_squeeze %dma_start3A_117 : memref<1x80x16xf32, #tpu.memory_space<vmem>> -> memref<80x16xf32, #tpu.memory_space<vmem>>
    %dma_start3A_119 = arith.constant 0 : i32
    %dma_start3A_120 = tpu.memref_slice %arg3[%add3A_113, %dma_start3A_119] : memref<1600000x16xf32, #tpu.memory_space<hbm>> -> memref<80x16xf32, #tpu.memory_space<hbm>>
    %dma_start3A_121 = arith.constant 0 : i32
    %dma_start3A_122 = arith.constant 0 : i32
    %dma_start3A_123 = tpu.memref_slice %arg8[%dma_start3A_114, %dma_start3A_121, %dma_start3A_122] : memref<5x80x16xf32, #tpu.memory_space<vmem>> -> memref<1x80x16xf32, #tpu.memory_space<vmem>>
    %dma_start3A_124 = tpu.memref_squeeze %dma_start3A_123 : memref<1x80x16xf32, #tpu.memory_space<vmem>> -> memref<80x16xf32, #tpu.memory_space<vmem>>
    %dma_start3A_125 = arith.constant 0 : i32
    %dma_start3A_126 = tpu.memref_slice %arg3[%add3A_113, %dma_start3A_125] : memref<1600000x16xf32, #tpu.memory_space<hbm>> -> memref<80x16xf32, #tpu.memory_space<hbm>>
    tpu.enqueue_dma source(%dma_start3A_126 : memref<80x16xf32, #tpu.memory_space<hbm>>) target(%dma_start3A_124 : memref<80x16xf32, #tpu.memory_space<vmem>>) target_semaphore(%arg19 : memref<!tpu.dma_semaphore, #tpu.memory_space<semaphore_mem>>)
    %broadcast_in_dim3A = arith.constant 0.000000e+00 : f32
    %broadcast_in_dim3A_127 = vector.broadcast %broadcast_in_dim3A : f32 to vector<16xf32>
    %scan3A = arith.constant 0 : i32
    %scan3A_128 = arith.constant 125 : i32
    %scan3A_129 = arith.addi %scan3A, %scan3A_128 : i32
    %scan3A_130 = arith.constant 1 : i32
    %scan3A_131 = scf.for %scan3A_136 = %scan3A to %scan3A_129 step %scan3A_130 iter_args(%scan3A_137 = %broadcast_in_dim3A_127) -> (vector<16xf32>)  : i32 {
      %mul3A_138 = arith.constant 5 : i32
      %mul3A_139 = arith.muli %scan3A_136, %mul3A_138 : i32
      %add3A_140 = arith.constant 0 : i32
      %add3A_141 = arith.addi %mul3A_139, %add3A_140 : i32
      %dma_wait3A = arith.constant 0 : i32
      %dma_wait3A_142 = arith.constant 0 : i32
      %dma_wait3A_143 = arith.constant 0 : i32
      %dma_wait3A_144 = tpu.memref_slice %arg7[%dma_wait3A, %dma_wait3A_142, %dma_wait3A_143] : memref<5x80x16xf32, #tpu.memory_space<vmem>> -> memref<1x80x16xf32, #tpu.memory_space<vmem>>
      %dma_wait3A_145 = tpu.memref_squeeze %dma_wait3A_144 : memref<1x80x16xf32, #tpu.memory_space<vmem>> -> memref<80x16xf32, #tpu.memory_space<vmem>>
      %dma_wait3A_146 = arith.constant 0 : i32
      %dma_wait3A_147 = arith.constant 0 : i32
      %dma_wait3A_148 = tpu.memref_slice %arg4[%dma_wait3A_146, %dma_wait3A_147] : memref<100000x16xf32, #tpu.memory_space<hbm>> -> memref<80x16xf32, #tpu.memory_space<hbm>>
      %dma_wait3A_149 = arith.constant 0 : i32
      %dma_wait3A_150 = arith.constant 0 : i32
      %dma_wait3A_151 = tpu.memref_slice %arg7[%dma_wait3A, %dma_wait3A_149, %dma_wait3A_150] : memref<5x80x16xf32, #tpu.memory_space<vmem>> -> memref<1x80x16xf32, #tpu.memory_space<vmem>>
      %dma_wait3A_152 = tpu.memref_squeeze %dma_wait3A_151 : memref<1x80x16xf32, #tpu.memory_space<vmem>> -> memref<80x16xf32, #tpu.memory_space<vmem>>
      %dma_wait3A_153 = arith.constant 0 : i32
      %dma_wait3A_154 = arith.constant 0 : i32
      %dma_wait3A_155 = tpu.memref_slice %arg4[%dma_wait3A_153, %dma_wait3A_154] : memref<100000x16xf32, #tpu.memory_space<hbm>> -> memref<80x16xf32, #tpu.memory_space<hbm>>
      tpu.wait_dma2 semaphore(%arg10 : memref<!tpu.dma_semaphore, #tpu.memory_space<semaphore_mem>>) src(%dma_wait3A_155 : memref<80x16xf32, #tpu.memory_space<hbm>>) dst(%dma_wait3A_152 : memref<80x16xf32, #tpu.memory_space<vmem>>)
      %dma_wait3A_156 = arith.constant 0 : i32
      %dma_wait3A_157 = arith.constant 0 : i32
      %dma_wait3A_158 = arith.constant 0 : i32
      %dma_wait3A_159 = tpu.memref_slice %arg8[%dma_wait3A_156, %dma_wait3A_157, %dma_wait3A_158] : memref<5x80x16xf32, #tpu.memory_space<vmem>> -> memref<1x80x16xf32, #tpu.memory_space<vmem>>
      %dma_wait3A_160 = tpu.memref_squeeze %dma_wait3A_159 : memref<1x80x16xf32, #tpu.memory_space<vmem>> -> memref<80x16xf32, #tpu.memory_space<vmem>>
      %dma_wait3A_161 = arith.constant 0 : i32
      %dma_wait3A_162 = arith.constant 0 : i32
      %dma_wait3A_163 = tpu.memref_slice %arg3[%dma_wait3A_161, %dma_wait3A_162] : memref<1600000x16xf32, #tpu.memory_space<hbm>> -> memref<80x16xf32, #tpu.memory_space<hbm>>
      %dma_wait3A_164 = arith.constant 0 : i32
      %dma_wait3A_165 = arith.constant 0 : i32
      %dma_wait3A_166 = tpu.memref_slice %arg8[%dma_wait3A_156, %dma_wait3A_164, %dma_wait3A_165] : memref<5x80x16xf32, #tpu.memory_space<vmem>> -> memref<1x80x16xf32, #tpu.memory_space<vmem>>
      %dma_wait3A_167 = tpu.memref_squeeze %dma_wait3A_166 : memref<1x80x16xf32, #tpu.memory_space<vmem>> -> memref<80x16xf32, #tpu.memory_space<vmem>>
      %dma_wait3A_168 = arith.constant 0 : i32
      %dma_wait3A_169 = arith.constant 0 : i32
      %dma_wait3A_170 = tpu.memref_slice %arg3[%dma_wait3A_168, %dma_wait3A_169] : memref<1600000x16xf32, #tpu.memory_space<hbm>> -> memref<80x16xf32, #tpu.memory_space<hbm>>
      tpu.wait_dma2 semaphore(%arg15 : memref<!tpu.dma_semaphore, #tpu.memory_space<semaphore_mem>>) src(%dma_wait3A_170 : memref<80x16xf32, #tpu.memory_space<hbm>>) dst(%dma_wait3A_167 : memref<80x16xf32, #tpu.memory_space<vmem>>)
      %scan3A_171 = arith.constant 0 : i32
      %scan3A_172 = arith.constant 80 : i32
      %scan3A_173 = arith.addi %scan3A_171, %scan3A_172 : i32
      %scan3A_174 = arith.constant 1 : i32
      %scan3A_175 = scf.for %scan3A_369 = %scan3A_171 to %scan3A_173 step %scan3A_174 iter_args(%scan3A_370 = %scan3A_137) -> (vector<16xf32>)  : i32 {
        %get3A = arith.constant 0 : i32
        %get3A_371 = arith.index_cast %get3A : i32 to index
        %get3A_372 = arith.index_cast %scan3A_369 : i32 to index
        %get3A_373 = arith.constant 0 : index
        %get3A_374 = tpu.vector_load %arg8[%get3A_371, %get3A_372, %get3A_373] {strides = array<i32>} : memref<5x80x16xf32, #tpu.memory_space<vmem>>, vector<1x1x16xf32>,
        %get3A_375 = vector.shape_cast %get3A_374 : vector<1x1x16xf32> to vector<16xf32>
        %get3A_376 = arith.constant 0 : i32
        %get3A_377 = arith.index_cast %get3A_376 : i32 to index
        %get3A_378 = arith.index_cast %scan3A_369 : i32 to index
        %get3A_379 = arith.constant 0 : index
        %get3A_380 = tpu.vector_load %arg7[%get3A_377, %get3A_378, %get3A_379] {strides = array<i32>} : memref<5x80x16xf32, #tpu.memory_space<vmem>>, vector<1x1x16xf32>,
        %get3A_381 = vector.shape_cast %get3A_380 : vector<1x1x16xf32> to vector<16xf32>
        %mul3A_382 = arith.mulf %get3A_375, %get3A_381 : vector<16xf32>
        %add3A_383 = arith.addf %scan3A_370, %mul3A_382 : vector<16xf32>
        scf.yield %add3A_383 : vector<16xf32>
      }
      %scan3A_176 = arith.constant 80 : i32
      %add3A_177 = arith.constant 5 : i32
      %add3A_178 = arith.addi %add3A_141, %add3A_177 : i32
      %lt3A = arith.constant 625 : i32
      %lt3A_179 = arith.cmpi slt, %add3A_178, %lt3A : i32
      %convert_element_type3A = arith.extui %lt3A_179 : i1 to i32
      %cond3A = arith.constant 0 : i32
      %cond3A_180 = arith.cmpi ne, %convert_element_type3A, %cond3A : i32
      scf.if %cond3A_180 {
        %add3A_369 = arith.constant 5 : i32
        %add3A_370 = arith.addi %add3A_141, %add3A_369 : i32
        %mul3A_371 = arith.constant 80 : i32
        %mul3A_372 = arith.muli %add3A_370, %mul3A_371 : i32
        %dma_start3A_373 = arith.constant 0 : i32
        %dma_start3A_374 = arith.constant 0 : i32
        %dma_start3A_375 = arith.constant 0 : i32
        %dma_start3A_376 = tpu.memref_slice %arg7[%dma_start3A_373, %dma_start3A_374, %dma_start3A_375] : memref<5x80x16xf32, #tpu.memory_space<vmem>> -> memref<1x80x16xf32, #tpu.memory_space<vmem>>
        %dma_start3A_377 = tpu.memref_squeeze %dma_start3A_376 : memref<1x80x16xf32, #tpu.memory_space<vmem>> -> memref<80x16xf32, #tpu.memory_space<vmem>>
        %dma_start3A_378 = tpu.memref_slice %arg6[%mul3A_372] : memref<50000xi32, #tpu.memory_space<vmem>> -> memref<80xi32, #tpu.memory_space<vmem>>
        %dma_start3A_379 = arith.constant 0 : i32
        %dma_start3A_380 = arith.constant 0 : i32
        %dma_start3A_381 = tpu.memref_slice %arg4[%dma_start3A_379, %dma_start3A_380] : memref<100000x16xf32, #tpu.memory_space<hbm>> -> memref<100000x16xf32, #tpu.memory_space<hbm>>
        tpu.enqueue_indirect_dma source(%dma_start3A_381 : memref<100000x16xf32, #tpu.memory_space<hbm>>) target(%dma_start3A_377 : memref<80x16xf32, #tpu.memory_space<vmem>>) offsets(%dma_start3A_378 : memref<80xi32, #tpu.memory_space<vmem>>) semaphore(%arg10 : memref<!tpu.dma_semaphore, #tpu.memory_space<semaphore_mem>>)
        %add3A_382 = arith.addi %mul3A_2, %mul3A_372 : i32
        %dma_start3A_383 = arith.constant 0 : i32
        %dma_start3A_384 = arith.constant 0 : i32
        %dma_start3A_385 = arith.constant 0 : i32
        %dma_start3A_386 = tpu.memref_slice %arg8[%dma_start3A_383, %dma_start3A_384, %dma_start3A_385] : memref<5x80x16xf32, #tpu.memory_space<vmem>> -> memref<1x80x16xf32, #tpu.memory_space<vmem>>
        %dma_start3A_387 = tpu.memref_squeeze %dma_start3A_386 : memref<1x80x16xf32, #tpu.memory_space<vmem>> -> memref<80x16xf32, #tpu.memory_space<vmem>>
        %dma_start3A_388 = arith.constant 0 : i32
        %dma_start3A_389 = tpu.memref_slice %arg3[%add3A_382, %dma_start3A_388] : memref<1600000x16xf32, #tpu.memory_space<hbm>> -> memref<80x16xf32, #tpu.memory_space<hbm>>
        %dma_start3A_390 = arith.constant 0 : i32
        %dma_start3A_391 = arith.constant 0 : i32
        %dma_start3A_392 = tpu.memref_slice %arg8[%dma_start3A_383, %dma_start3A_390, %dma_start3A_391] : memref<5x80x16xf32, #tpu.memory_space<vmem>> -> memref<1x80x16xf32, #tpu.memory_space<vmem>>
        %dma_start3A_393 = tpu.memref_squeeze %dma_start3A_392 : memref<1x80x16xf32, #tpu.memory_space<vmem>> -> memref<80x16xf32, #tpu.memory_space<vmem>>
        %dma_start3A_394 = arith.constant 0 : i32
        %dma_start3A_395 = tpu.memref_slice %arg3[%add3A_382, %dma_start3A_394] : memref<1600000x16xf32, #tpu.memory_space<hbm>> -> memref<80x16xf32, #tpu.memory_space<hbm>>
        tpu.enqueue_dma source(%dma_start3A_395 : memref<80x16xf32, #tpu.memory_space<hbm>>) target(%dma_start3A_393 : memref<80x16xf32, #tpu.memory_space<vmem>>) target_semaphore(%arg15 : memref<!tpu.dma_semaphore, #tpu.memory_space<semaphore_mem>>)
      } else {
      }
      %mul3A_181 = arith.constant 5 : i32
      %mul3A_182 = arith.muli %scan3A_136, %mul3A_181 : i32
      %add3A_183 = arith.constant 1 : i32
      %add3A_184 = arith.addi %mul3A_182, %add3A_183 : i32
      %dma_wait3A_185 = arith.constant 1 : i32
      %dma_wait3A_186 = arith.constant 0 : i32
      %dma_wait3A_187 = arith.constant 0 : i32
      %dma_wait3A_188 = tpu.memref_slice %arg7[%dma_wait3A_185, %dma_wait3A_186, %dma_wait3A_187] : memref<5x80x16xf32, #tpu.memory_space<vmem>> -> memref<1x80x16xf32, #tpu.memory_space<vmem>>
      %dma_wait3A_189 = tpu.memref_squeeze %dma_wait3A_188 : memref<1x80x16xf32, #tpu.memory_space<vmem>> -> memref<80x16xf32, #tpu.memory_space<vmem>>
      %dma_wait3A_190 = arith.constant 0 : i32
      %dma_wait3A_191 = arith.constant 0 : i32
      %dma_wait3A_192 = tpu.memref_slice %arg4[%dma_wait3A_190, %dma_wait3A_191] : memref<100000x16xf32, #tpu.memory_space<hbm>> -> memref<80x16xf32, #tpu.memory_space<hbm>>
      %dma_wait3A_193 = arith.constant 0 : i32
      %dma_wait3A_194 = arith.constant 0 : i32
      %dma_wait3A_195 = tpu.memref_slice %arg7[%dma_wait3A_185, %dma_wait3A_193, %dma_wait3A_194] : memref<5x80x16xf32, #tpu.memory_space<vmem>> -> memref<1x80x16xf32, #tpu.memory_space<vmem>>
      %dma_wait3A_196 = tpu.memref_squeeze %dma_wait3A_195 : memref<1x80x16xf32, #tpu.memory_space<vmem>> -> memref<80x16xf32, #tpu.memory_space<vmem>>
      %dma_wait3A_197 = arith.constant 0 : i32
      %dma_wait3A_198 = arith.constant 0 : i32
      %dma_wait3A_199 = tpu.memref_slice %arg4[%dma_wait3A_197, %dma_wait3A_198] : memref<100000x16xf32, #tpu.memory_space<hbm>> -> memref<80x16xf32, #tpu.memory_space<hbm>>
      tpu.wait_dma2 semaphore(%arg11 : memref<!tpu.dma_semaphore, #tpu.memory_space<semaphore_mem>>) src(%dma_wait3A_199 : memref<80x16xf32, #tpu.memory_space<hbm>>) dst(%dma_wait3A_196 : memref<80x16xf32, #tpu.memory_space<vmem>>)
      %dma_wait3A_200 = arith.constant 1 : i32
      %dma_wait3A_201 = arith.constant 0 : i32
      %dma_wait3A_202 = arith.constant 0 : i32
      %dma_wait3A_203 = tpu.memref_slice %arg8[%dma_wait3A_200, %dma_wait3A_201, %dma_wait3A_202] : memref<5x80x16xf32, #tpu.memory_space<vmem>> -> memref<1x80x16xf32, #tpu.memory_space<vmem>>
      %dma_wait3A_204 = tpu.memref_squeeze %dma_wait3A_203 : memref<1x80x16xf32, #tpu.memory_space<vmem>> -> memref<80x16xf32, #tpu.memory_space<vmem>>
      %dma_wait3A_205 = arith.constant 0 : i32
      %dma_wait3A_206 = arith.constant 0 : i32
      %dma_wait3A_207 = tpu.memref_slice %arg3[%dma_wait3A_205, %dma_wait3A_206] : memref<1600000x16xf32, #tpu.memory_space<hbm>> -> memref<80x16xf32, #tpu.memory_space<hbm>>
      %dma_wait3A_208 = arith.constant 0 : i32
      %dma_wait3A_209 = arith.constant 0 : i32
      %dma_wait3A_210 = tpu.memref_slice %arg8[%dma_wait3A_200, %dma_wait3A_208, %dma_wait3A_209] : memref<5x80x16xf32, #tpu.memory_space<vmem>> -> memref<1x80x16xf32, #tpu.memory_space<vmem>>
      %dma_wait3A_211 = tpu.memref_squeeze %dma_wait3A_210 : memref<1x80x16xf32, #tpu.memory_space<vmem>> -> memref<80x16xf32, #tpu.memory_space<vmem>>
      %dma_wait3A_212 = arith.constant 0 : i32
      %dma_wait3A_213 = arith.constant 0 : i32
      %dma_wait3A_214 = tpu.memref_slice %arg3[%dma_wait3A_212, %dma_wait3A_213] : memref<1600000x16xf32, #tpu.memory_space<hbm>> -> memref<80x16xf32, #tpu.memory_space<hbm>>
      tpu.wait_dma2 semaphore(%arg16 : memref<!tpu.dma_semaphore, #tpu.memory_space<semaphore_mem>>) src(%dma_wait3A_214 : memref<80x16xf32, #tpu.memory_space<hbm>>) dst(%dma_wait3A_211 : memref<80x16xf32, #tpu.memory_space<vmem>>)
      %scan3A_215 = arith.constant 0 : i32
      %scan3A_216 = arith.constant 80 : i32
      %scan3A_217 = arith.addi %scan3A_215, %scan3A_216 : i32
      %scan3A_218 = arith.constant 1 : i32
      %scan3A_219 = scf.for %scan3A_369 = %scan3A_215 to %scan3A_217 step %scan3A_218 iter_args(%scan3A_370 = %scan3A_175) -> (vector<16xf32>)  : i32 {
        %get3A = arith.constant 1 : i32
        %get3A_371 = arith.index_cast %get3A : i32 to index
        %get3A_372 = arith.index_cast %scan3A_369 : i32 to index
        %get3A_373 = arith.constant 0 : index
        %get3A_374 = tpu.vector_load %arg8[%get3A_371, %get3A_372, %get3A_373] {strides = array<i32>} : memref<5x80x16xf32, #tpu.memory_space<vmem>>, vector<1x1x16xf32>,
        %get3A_375 = vector.shape_cast %get3A_374 : vector<1x1x16xf32> to vector<16xf32>
        %get3A_376 = arith.constant 1 : i32
        %get3A_377 = arith.index_cast %get3A_376 : i32 to index
        %get3A_378 = arith.index_cast %scan3A_369 : i32 to index
        %get3A_379 = arith.constant 0 : index
        %get3A_380 = tpu.vector_load %arg7[%get3A_377, %get3A_378, %get3A_379] {strides = array<i32>} : memref<5x80x16xf32, #tpu.memory_space<vmem>>, vector<1x1x16xf32>,
        %get3A_381 = vector.shape_cast %get3A_380 : vector<1x1x16xf32> to vector<16xf32>
        %mul3A_382 = arith.mulf %get3A_375, %get3A_381 : vector<16xf32>
        %add3A_383 = arith.addf %scan3A_370, %mul3A_382 : vector<16xf32>
        scf.yield %add3A_383 : vector<16xf32>
      }
      %scan3A_220 = arith.constant 80 : i32
      %add3A_221 = arith.constant 5 : i32
      %add3A_222 = arith.addi %add3A_184, %add3A_221 : i32
      %lt3A_223 = arith.constant 625 : i32
      %lt3A_224 = arith.cmpi slt, %add3A_222, %lt3A_223 : i32
      %convert_element_type3A_225 = arith.extui %lt3A_224 : i1 to i32
      %cond3A_226 = arith.constant 0 : i32
      %cond3A_227 = arith.cmpi ne, %convert_element_type3A_225, %cond3A_226 : i32
      scf.if %cond3A_227 {
        %add3A_369 = arith.constant 5 : i32
        %add3A_370 = arith.addi %add3A_184, %add3A_369 : i32
        %mul3A_371 = arith.constant 80 : i32
        %mul3A_372 = arith.muli %add3A_370, %mul3A_371 : i32
        %dma_start3A_373 = arith.constant 1 : i32
        %dma_start3A_374 = arith.constant 0 : i32
        %dma_start3A_375 = arith.constant 0 : i32
        %dma_start3A_376 = tpu.memref_slice %arg7[%dma_start3A_373, %dma_start3A_374, %dma_start3A_375] : memref<5x80x16xf32, #tpu.memory_space<vmem>> -> memref<1x80x16xf32, #tpu.memory_space<vmem>>
        %dma_start3A_377 = tpu.memref_squeeze %dma_start3A_376 : memref<1x80x16xf32, #tpu.memory_space<vmem>> -> memref<80x16xf32, #tpu.memory_space<vmem>>
        %dma_start3A_378 = tpu.memref_slice %arg6[%mul3A_372] : memref<50000xi32, #tpu.memory_space<vmem>> -> memref<80xi32, #tpu.memory_space<vmem>>
        %dma_start3A_379 = arith.constant 0 : i32
        %dma_start3A_380 = arith.constant 0 : i32
        %dma_start3A_381 = tpu.memref_slice %arg4[%dma_start3A_379, %dma_start3A_380] : memref<100000x16xf32, #tpu.memory_space<hbm>> -> memref<100000x16xf32, #tpu.memory_space<hbm>>
        tpu.enqueue_indirect_dma source(%dma_start3A_381 : memref<100000x16xf32, #tpu.memory_space<hbm>>) target(%dma_start3A_377 : memref<80x16xf32, #tpu.memory_space<vmem>>) offsets(%dma_start3A_378 : memref<80xi32, #tpu.memory_space<vmem>>) semaphore(%arg11 : memref<!tpu.dma_semaphore, #tpu.memory_space<semaphore_mem>>)
        %add3A_382 = arith.addi %mul3A_2, %mul3A_372 : i32
        %dma_start3A_383 = arith.constant 1 : i32
        %dma_start3A_384 = arith.constant 0 : i32
        %dma_start3A_385 = arith.constant 0 : i32
        %dma_start3A_386 = tpu.memref_slice %arg8[%dma_start3A_383, %dma_start3A_384, %dma_start3A_385] : memref<5x80x16xf32, #tpu.memory_space<vmem>> -> memref<1x80x16xf32, #tpu.memory_space<vmem>>
        %dma_start3A_387 = tpu.memref_squeeze %dma_start3A_386 : memref<1x80x16xf32, #tpu.memory_space<vmem>> -> memref<80x16xf32, #tpu.memory_space<vmem>>
        %dma_start3A_388 = arith.constant 0 : i32
        %dma_start3A_389 = tpu.memref_slice %arg3[%add3A_382, %dma_start3A_388] : memref<1600000x16xf32, #tpu.memory_space<hbm>> -> memref<80x16xf32, #tpu.memory_space<hbm>>
        %dma_start3A_390 = arith.constant 0 : i32
        %dma_start3A_391 = arith.constant 0 : i32
        %dma_start3A_392 = tpu.memref_slice %arg8[%dma_start3A_383, %dma_start3A_390, %dma_start3A_391] : memref<5x80x16xf32, #tpu.memory_space<vmem>> -> memref<1x80x16xf32, #tpu.memory_space<vmem>>
        %dma_start3A_393 = tpu.memref_squeeze %dma_start3A_392 : memref<1x80x16xf32, #tpu.memory_space<vmem>> -> memref<80x16xf32, #tpu.memory_space<vmem>>
        %dma_start3A_394 = arith.constant 0 : i32
        %dma_start3A_395 = tpu.memref_slice %arg3[%add3A_382, %dma_start3A_394] : memref<1600000x16xf32, #tpu.memory_space<hbm>> -> memref<80x16xf32, #tpu.memory_space<hbm>>
        tpu.enqueue_dma source(%dma_start3A_395 : memref<80x16xf32, #tpu.memory_space<hbm>>) target(%dma_start3A_393 : memref<80x16xf32, #tpu.memory_space<vmem>>) target_semaphore(%arg16 : memref<!tpu.dma_semaphore, #tpu.memory_space<semaphore_mem>>)
      } else {
      }
      %mul3A_228 = arith.constant 5 : i32
      %mul3A_229 = arith.muli %scan3A_136, %mul3A_228 : i32
      %add3A_230 = arith.constant 2 : i32
      %add3A_231 = arith.addi %mul3A_229, %add3A_230 : i32
      %dma_wait3A_232 = arith.constant 2 : i32
      %dma_wait3A_233 = arith.constant 0 : i32
      %dma_wait3A_234 = arith.constant 0 : i32
      %dma_wait3A_235 = tpu.memref_slice %arg7[%dma_wait3A_232, %dma_wait3A_233, %dma_wait3A_234] : memref<5x80x16xf32, #tpu.memory_space<vmem>> -> memref<1x80x16xf32, #tpu.memory_space<vmem>>
      %dma_wait3A_236 = tpu.memref_squeeze %dma_wait3A_235 : memref<1x80x16xf32, #tpu.memory_space<vmem>> -> memref<80x16xf32, #tpu.memory_space<vmem>>
      %dma_wait3A_237 = arith.constant 0 : i32
      %dma_wait3A_238 = arith.constant 0 : i32
      %dma_wait3A_239 = tpu.memref_slice %arg4[%dma_wait3A_237, %dma_wait3A_238] : memref<100000x16xf32, #tpu.memory_space<hbm>> -> memref<80x16xf32, #tpu.memory_space<hbm>>
      %dma_wait3A_240 = arith.constant 0 : i32
      %dma_wait3A_241 = arith.constant 0 : i32
      %dma_wait3A_242 = tpu.memref_slice %arg7[%dma_wait3A_232, %dma_wait3A_240, %dma_wait3A_241] : memref<5x80x16xf32, #tpu.memory_space<vmem>> -> memref<1x80x16xf32, #tpu.memory_space<vmem>>
      %dma_wait3A_243 = tpu.memref_squeeze %dma_wait3A_242 : memref<1x80x16xf32, #tpu.memory_space<vmem>> -> memref<80x16xf32, #tpu.memory_space<vmem>>
      %dma_wait3A_244 = arith.constant 0 : i32
      %dma_wait3A_245 = arith.constant 0 : i32
      %dma_wait3A_246 = tpu.memref_slice %arg4[%dma_wait3A_244, %dma_wait3A_245] : memref<100000x16xf32, #tpu.memory_space<hbm>> -> memref<80x16xf32, #tpu.memory_space<hbm>>
      tpu.wait_dma2 semaphore(%arg12 : memref<!tpu.dma_semaphore, #tpu.memory_space<semaphore_mem>>) src(%dma_wait3A_246 : memref<80x16xf32, #tpu.memory_space<hbm>>) dst(%dma_wait3A_243 : memref<80x16xf32, #tpu.memory_space<vmem>>)
      %dma_wait3A_247 = arith.constant 2 : i32
      %dma_wait3A_248 = arith.constant 0 : i32
      %dma_wait3A_249 = arith.constant 0 : i32
      %dma_wait3A_250 = tpu.memref_slice %arg8[%dma_wait3A_247, %dma_wait3A_248, %dma_wait3A_249] : memref<5x80x16xf32, #tpu.memory_space<vmem>> -> memref<1x80x16xf32, #tpu.memory_space<vmem>>
      %dma_wait3A_251 = tpu.memref_squeeze %dma_wait3A_250 : memref<1x80x16xf32, #tpu.memory_space<vmem>> -> memref<80x16xf32, #tpu.memory_space<vmem>>
      %dma_wait3A_252 = arith.constant 0 : i32
      %dma_wait3A_253 = arith.constant 0 : i32
      %dma_wait3A_254 = tpu.memref_slice %arg3[%dma_wait3A_252, %dma_wait3A_253] : memref<1600000x16xf32, #tpu.memory_space<hbm>> -> memref<80x16xf32, #tpu.memory_space<hbm>>
      %dma_wait3A_255 = arith.constant 0 : i32
      %dma_wait3A_256 = arith.constant 0 : i32
      %dma_wait3A_257 = tpu.memref_slice %arg8[%dma_wait3A_247, %dma_wait3A_255, %dma_wait3A_256] : memref<5x80x16xf32, #tpu.memory_space<vmem>> -> memref<1x80x16xf32, #tpu.memory_space<vmem>>
      %dma_wait3A_258 = tpu.memref_squeeze %dma_wait3A_257 : memref<1x80x16xf32, #tpu.memory_space<vmem>> -> memref<80x16xf32, #tpu.memory_space<vmem>>
      %dma_wait3A_259 = arith.constant 0 : i32
      %dma_wait3A_260 = arith.constant 0 : i32
      %dma_wait3A_261 = tpu.memref_slice %arg3[%dma_wait3A_259, %dma_wait3A_260] : memref<1600000x16xf32, #tpu.memory_space<hbm>> -> memref<80x16xf32, #tpu.memory_space<hbm>>
      tpu.wait_dma2 semaphore(%arg17 : memref<!tpu.dma_semaphore, #tpu.memory_space<semaphore_mem>>) src(%dma_wait3A_261 : memref<80x16xf32, #tpu.memory_space<hbm>>) dst(%dma_wait3A_258 : memref<80x16xf32, #tpu.memory_space<vmem>>)
      %scan3A_262 = arith.constant 0 : i32
      %scan3A_263 = arith.constant 80 : i32
      %scan3A_264 = arith.addi %scan3A_262, %scan3A_263 : i32
      %scan3A_265 = arith.constant 1 : i32
      %scan3A_266 = scf.for %scan3A_369 = %scan3A_262 to %scan3A_264 step %scan3A_265 iter_args(%scan3A_370 = %scan3A_219) -> (vector<16xf32>)  : i32 {
        %get3A = arith.constant 2 : i32
        %get3A_371 = arith.index_cast %get3A : i32 to index
        %get3A_372 = arith.index_cast %scan3A_369 : i32 to index
        %get3A_373 = arith.constant 0 : index
        %get3A_374 = tpu.vector_load %arg8[%get3A_371, %get3A_372, %get3A_373] {strides = array<i32>} : memref<5x80x16xf32, #tpu.memory_space<vmem>>, vector<1x1x16xf32>,
        %get3A_375 = vector.shape_cast %get3A_374 : vector<1x1x16xf32> to vector<16xf32>
        %get3A_376 = arith.constant 2 : i32
        %get3A_377 = arith.index_cast %get3A_376 : i32 to index
        %get3A_378 = arith.index_cast %scan3A_369 : i32 to index
        %get3A_379 = arith.constant 0 : index
        %get3A_380 = tpu.vector_load %arg7[%get3A_377, %get3A_378, %get3A_379] {strides = array<i32>} : memref<5x80x16xf32, #tpu.memory_space<vmem>>, vector<1x1x16xf32>,
        %get3A_381 = vector.shape_cast %get3A_380 : vector<1x1x16xf32> to vector<16xf32>
        %mul3A_382 = arith.mulf %get3A_375, %get3A_381 : vector<16xf32>
        %add3A_383 = arith.addf %scan3A_370, %mul3A_382 : vector<16xf32>
        scf.yield %add3A_383 : vector<16xf32>
      }
      %scan3A_267 = arith.constant 80 : i32
      %add3A_268 = arith.constant 5 : i32
      %add3A_269 = arith.addi %add3A_231, %add3A_268 : i32
      %lt3A_270 = arith.constant 625 : i32
      %lt3A_271 = arith.cmpi slt, %add3A_269, %lt3A_270 : i32
      %convert_element_type3A_272 = arith.extui %lt3A_271 : i1 to i32
      %cond3A_273 = arith.constant 0 : i32
      %cond3A_274 = arith.cmpi ne, %convert_element_type3A_272, %cond3A_273 : i32
      scf.if %cond3A_274 {
        %add3A_369 = arith.constant 5 : i32
        %add3A_370 = arith.addi %add3A_231, %add3A_369 : i32
        %mul3A_371 = arith.constant 80 : i32
        %mul3A_372 = arith.muli %add3A_370, %mul3A_371 : i32
        %dma_start3A_373 = arith.constant 2 : i32
        %dma_start3A_374 = arith.constant 0 : i32
        %dma_start3A_375 = arith.constant 0 : i32
        %dma_start3A_376 = tpu.memref_slice %arg7[%dma_start3A_373, %dma_start3A_374, %dma_start3A_375] : memref<5x80x16xf32, #tpu.memory_space<vmem>> -> memref<1x80x16xf32, #tpu.memory_space<vmem>>
        %dma_start3A_377 = tpu.memref_squeeze %dma_start3A_376 : memref<1x80x16xf32, #tpu.memory_space<vmem>> -> memref<80x16xf32, #tpu.memory_space<vmem>>
        %dma_start3A_378 = tpu.memref_slice %arg6[%mul3A_372] : memref<50000xi32, #tpu.memory_space<vmem>> -> memref<80xi32, #tpu.memory_space<vmem>>
        %dma_start3A_379 = arith.constant 0 : i32
        %dma_start3A_380 = arith.constant 0 : i32
        %dma_start3A_381 = tpu.memref_slice %arg4[%dma_start3A_379, %dma_start3A_380] : memref<100000x16xf32, #tpu.memory_space<hbm>> -> memref<100000x16xf32, #tpu.memory_space<hbm>>
        tpu.enqueue_indirect_dma source(%dma_start3A_381 : memref<100000x16xf32, #tpu.memory_space<hbm>>) target(%dma_start3A_377 : memref<80x16xf32, #tpu.memory_space<vmem>>) offsets(%dma_start3A_378 : memref<80xi32, #tpu.memory_space<vmem>>) semaphore(%arg12 : memref<!tpu.dma_semaphore, #tpu.memory_space<semaphore_mem>>)
        %add3A_382 = arith.addi %mul3A_2, %mul3A_372 : i32
        %dma_start3A_383 = arith.constant 2 : i32
        %dma_start3A_384 = arith.constant 0 : i32
        %dma_start3A_385 = arith.constant 0 : i32
        %dma_start3A_386 = tpu.memref_slice %arg8[%dma_start3A_383, %dma_start3A_384, %dma_start3A_385] : memref<5x80x16xf32, #tpu.memory_space<vmem>> -> memref<1x80x16xf32, #tpu.memory_space<vmem>>
        %dma_start3A_387 = tpu.memref_squeeze %dma_start3A_386 : memref<1x80x16xf32, #tpu.memory_space<vmem>> -> memref<80x16xf32, #tpu.memory_space<vmem>>
        %dma_start3A_388 = arith.constant 0 : i32
        %dma_start3A_389 = tpu.memref_slice %arg3[%add3A_382, %dma_start3A_388] : memref<1600000x16xf32, #tpu.memory_space<hbm>> -> memref<80x16xf32, #tpu.memory_space<hbm>>
        %dma_start3A_390 = arith.constant 0 : i32
        %dma_start3A_391 = arith.constant 0 : i32
        %dma_start3A_392 = tpu.memref_slice %arg8[%dma_start3A_383, %dma_start3A_390, %dma_start3A_391] : memref<5x80x16xf32, #tpu.memory_space<vmem>> -> memref<1x80x16xf32, #tpu.memory_space<vmem>>
        %dma_start3A_393 = tpu.memref_squeeze %dma_start3A_392 : memref<1x80x16xf32, #tpu.memory_space<vmem>> -> memref<80x16xf32, #tpu.memory_space<vmem>>
        %dma_start3A_394 = arith.constant 0 : i32
        %dma_start3A_395 = tpu.memref_slice %arg3[%add3A_382, %dma_start3A_394] : memref<1600000x16xf32, #tpu.memory_space<hbm>> -> memref<80x16xf32, #tpu.memory_space<hbm>>
        tpu.enqueue_dma source(%dma_start3A_395 : memref<80x16xf32, #tpu.memory_space<hbm>>) target(%dma_start3A_393 : memref<80x16xf32, #tpu.memory_space<vmem>>) target_semaphore(%arg17 : memref<!tpu.dma_semaphore, #tpu.memory_space<semaphore_mem>>)
      } else {
      }
      %mul3A_275 = arith.constant 5 : i32
      %mul3A_276 = arith.muli %scan3A_136, %mul3A_275 : i32
      %add3A_277 = arith.constant 3 : i32
      %add3A_278 = arith.addi %mul3A_276, %add3A_277 : i32
      %dma_wait3A_279 = arith.constant 3 : i32
      %dma_wait3A_280 = arith.constant 0 : i32
      %dma_wait3A_281 = arith.constant 0 : i32
      %dma_wait3A_282 = tpu.memref_slice %arg7[%dma_wait3A_279, %dma_wait3A_280, %dma_wait3A_281] : memref<5x80x16xf32, #tpu.memory_space<vmem>> -> memref<1x80x16xf32, #tpu.memory_space<vmem>>
      %dma_wait3A_283 = tpu.memref_squeeze %dma_wait3A_282 : memref<1x80x16xf32, #tpu.memory_space<vmem>> -> memref<80x16xf32, #tpu.memory_space<vmem>>
      %dma_wait3A_284 = arith.constant 0 : i32
      %dma_wait3A_285 = arith.constant 0 : i32
      %dma_wait3A_286 = tpu.memref_slice %arg4[%dma_wait3A_284, %dma_wait3A_285] : memref<100000x16xf32, #tpu.memory_space<hbm>> -> memref<80x16xf32, #tpu.memory_space<hbm>>
      %dma_wait3A_287 = arith.constant 0 : i32
      %dma_wait3A_288 = arith.constant 0 : i32
      %dma_wait3A_289 = tpu.memref_slice %arg7[%dma_wait3A_279, %dma_wait3A_287, %dma_wait3A_288] : memref<5x80x16xf32, #tpu.memory_space<vmem>> -> memref<1x80x16xf32, #tpu.memory_space<vmem>>
      %dma_wait3A_290 = tpu.memref_squeeze %dma_wait3A_289 : memref<1x80x16xf32, #tpu.memory_space<vmem>> -> memref<80x16xf32, #tpu.memory_space<vmem>>
      %dma_wait3A_291 = arith.constant 0 : i32
      %dma_wait3A_292 = arith.constant 0 : i32
      %dma_wait3A_293 = tpu.memref_slice %arg4[%dma_wait3A_291, %dma_wait3A_292] : memref<100000x16xf32, #tpu.memory_space<hbm>> -> memref<80x16xf32, #tpu.memory_space<hbm>>
      tpu.wait_dma2 semaphore(%arg13 : memref<!tpu.dma_semaphore, #tpu.memory_space<semaphore_mem>>) src(%dma_wait3A_293 : memref<80x16xf32, #tpu.memory_space<hbm>>) dst(%dma_wait3A_290 : memref<80x16xf32, #tpu.memory_space<vmem>>)
      %dma_wait3A_294 = arith.constant 3 : i32
      %dma_wait3A_295 = arith.constant 0 : i32
      %dma_wait3A_296 = arith.constant 0 : i32
      %dma_wait3A_297 = tpu.memref_slice %arg8[%dma_wait3A_294, %dma_wait3A_295, %dma_wait3A_296] : memref<5x80x16xf32, #tpu.memory_space<vmem>> -> memref<1x80x16xf32, #tpu.memory_space<vmem>>
      %dma_wait3A_298 = tpu.memref_squeeze %dma_wait3A_297 : memref<1x80x16xf32, #tpu.memory_space<vmem>> -> memref<80x16xf32, #tpu.memory_space<vmem>>
      %dma_wait3A_299 = arith.constant 0 : i32
      %dma_wait3A_300 = arith.constant 0 : i32
      %dma_wait3A_301 = tpu.memref_slice %arg3[%dma_wait3A_299, %dma_wait3A_300] : memref<1600000x16xf32, #tpu.memory_space<hbm>> -> memref<80x16xf32, #tpu.memory_space<hbm>>
      %dma_wait3A_302 = arith.constant 0 : i32
      %dma_wait3A_303 = arith.constant 0 : i32
      %dma_wait3A_304 = tpu.memref_slice %arg8[%dma_wait3A_294, %dma_wait3A_302, %dma_wait3A_303] : memref<5x80x16xf32, #tpu.memory_space<vmem>> -> memref<1x80x16xf32, #tpu.memory_space<vmem>>
      %dma_wait3A_305 = tpu.memref_squeeze %dma_wait3A_304 : memref<1x80x16xf32, #tpu.memory_space<vmem>> -> memref<80x16xf32, #tpu.memory_space<vmem>>
      %dma_wait3A_306 = arith.constant 0 : i32
      %dma_wait3A_307 = arith.constant 0 : i32
      %dma_wait3A_308 = tpu.memref_slice %arg3[%dma_wait3A_306, %dma_wait3A_307] : memref<1600000x16xf32, #tpu.memory_space<hbm>> -> memref<80x16xf32, #tpu.memory_space<hbm>>
      tpu.wait_dma2 semaphore(%arg18 : memref<!tpu.dma_semaphore, #tpu.memory_space<semaphore_mem>>) src(%dma_wait3A_308 : memref<80x16xf32, #tpu.memory_space<hbm>>) dst(%dma_wait3A_305 : memref<80x16xf32, #tpu.memory_space<vmem>>)
      %scan3A_309 = arith.constant 0 : i32
      %scan3A_310 = arith.constant 80 : i32
      %scan3A_311 = arith.addi %scan3A_309, %scan3A_310 : i32
      %scan3A_312 = arith.constant 1 : i32
      %scan3A_313 = scf.for %scan3A_369 = %scan3A_309 to %scan3A_311 step %scan3A_312 iter_args(%scan3A_370 = %scan3A_266) -> (vector<16xf32>)  : i32 {
        %get3A = arith.constant 3 : i32
        %get3A_371 = arith.index_cast %get3A : i32 to index
        %get3A_372 = arith.index_cast %scan3A_369 : i32 to index
        %get3A_373 = arith.constant 0 : index
        %get3A_374 = tpu.vector_load %arg8[%get3A_371, %get3A_372, %get3A_373] {strides = array<i32>} : memref<5x80x16xf32, #tpu.memory_space<vmem>>, vector<1x1x16xf32>,
        %get3A_375 = vector.shape_cast %get3A_374 : vector<1x1x16xf32> to vector<16xf32>
        %get3A_376 = arith.constant 3 : i32
        %get3A_377 = arith.index_cast %get3A_376 : i32 to index
        %get3A_378 = arith.index_cast %scan3A_369 : i32 to index
        %get3A_379 = arith.constant 0 : index
        %get3A_380 = tpu.vector_load %arg7[%get3A_377, %get3A_378, %get3A_379] {strides = array<i32>} : memref<5x80x16xf32, #tpu.memory_space<vmem>>, vector<1x1x16xf32>,
        %get3A_381 = vector.shape_cast %get3A_380 : vector<1x1x16xf32> to vector<16xf32>
        %mul3A_382 = arith.mulf %get3A_375, %get3A_381 : vector<16xf32>
        %add3A_383 = arith.addf %scan3A_370, %mul3A_382 : vector<16xf32>
        scf.yield %add3A_383 : vector<16xf32>
      }
      %scan3A_314 = arith.constant 80 : i32
      %add3A_315 = arith.constant 5 : i32
      %add3A_316 = arith.addi %add3A_278, %add3A_315 : i32
      %lt3A_317 = arith.constant 625 : i32
      %lt3A_318 = arith.cmpi slt, %add3A_316, %lt3A_317 : i32
      %convert_element_type3A_319 = arith.extui %lt3A_318 : i1 to i32
      %cond3A_320 = arith.constant 0 : i32
      %cond3A_321 = arith.cmpi ne, %convert_element_type3A_319, %cond3A_320 : i32
      scf.if %cond3A_321 {
        %add3A_369 = arith.constant 5 : i32
        %add3A_370 = arith.addi %add3A_278, %add3A_369 : i32
        %mul3A_371 = arith.constant 80 : i32
        %mul3A_372 = arith.muli %add3A_370, %mul3A_371 : i32
        %dma_start3A_373 = arith.constant 3 : i32
        %dma_start3A_374 = arith.constant 0 : i32
        %dma_start3A_375 = arith.constant 0 : i32
        %dma_start3A_376 = tpu.memref_slice %arg7[%dma_start3A_373, %dma_start3A_374, %dma_start3A_375] : memref<5x80x16xf32, #tpu.memory_space<vmem>> -> memref<1x80x16xf32, #tpu.memory_space<vmem>>
        %dma_start3A_377 = tpu.memref_squeeze %dma_start3A_376 : memref<1x80x16xf32, #tpu.memory_space<vmem>> -> memref<80x16xf32, #tpu.memory_space<vmem>>
        %dma_start3A_378 = tpu.memref_slice %arg6[%mul3A_372] : memref<50000xi32, #tpu.memory_space<vmem>> -> memref<80xi32, #tpu.memory_space<vmem>>
        %dma_start3A_379 = arith.constant 0 : i32
        %dma_start3A_380 = arith.constant 0 : i32
        %dma_start3A_381 = tpu.memref_slice %arg4[%dma_start3A_379, %dma_start3A_380] : memref<100000x16xf32, #tpu.memory_space<hbm>> -> memref<100000x16xf32, #tpu.memory_space<hbm>>
        tpu.enqueue_indirect_dma source(%dma_start3A_381 : memref<100000x16xf32, #tpu.memory_space<hbm>>) target(%dma_start3A_377 : memref<80x16xf32, #tpu.memory_space<vmem>>) offsets(%dma_start3A_378 : memref<80xi32, #tpu.memory_space<vmem>>) semaphore(%arg13 : memref<!tpu.dma_semaphore, #tpu.memory_space<semaphore_mem>>)
        %add3A_382 = arith.addi %mul3A_2, %mul3A_372 : i32
        %dma_start3A_383 = arith.constant 3 : i32
        %dma_start3A_384 = arith.constant 0 : i32
        %dma_start3A_385 = arith.constant 0 : i32
        %dma_start3A_386 = tpu.memref_slice %arg8[%dma_start3A_383, %dma_start3A_384, %dma_start3A_385] : memref<5x80x16xf32, #tpu.memory_space<vmem>> -> memref<1x80x16xf32, #tpu.memory_space<vmem>>
        %dma_start3A_387 = tpu.memref_squeeze %dma_start3A_386 : memref<1x80x16xf32, #tpu.memory_space<vmem>> -> memref<80x16xf32, #tpu.memory_space<vmem>>
        %dma_start3A_388 = arith.constant 0 : i32
        %dma_start3A_389 = tpu.memref_slice %arg3[%add3A_382, %dma_start3A_388] : memref<1600000x16xf32, #tpu.memory_space<hbm>> -> memref<80x16xf32, #tpu.memory_space<hbm>>
        %dma_start3A_390 = arith.constant 0 : i32
        %dma_start3A_391 = arith.constant 0 : i32
        %dma_start3A_392 = tpu.memref_slice %arg8[%dma_start3A_383, %dma_start3A_390, %dma_start3A_391] : memref<5x80x16xf32, #tpu.memory_space<vmem>> -> memref<1x80x16xf32, #tpu.memory_space<vmem>>
        %dma_start3A_393 = tpu.memref_squeeze %dma_start3A_392 : memref<1x80x16xf32, #tpu.memory_space<vmem>> -> memref<80x16xf32, #tpu.memory_space<vmem>>
        %dma_start3A_394 = arith.constant 0 : i32
        %dma_start3A_395 = tpu.memref_slice %arg3[%add3A_382, %dma_start3A_394] : memref<1600000x16xf32, #tpu.memory_space<hbm>> -> memref<80x16xf32, #tpu.memory_space<hbm>>
        tpu.enqueue_dma source(%dma_start3A_395 : memref<80x16xf32, #tpu.memory_space<hbm>>) target(%dma_start3A_393 : memref<80x16xf32, #tpu.memory_space<vmem>>) target_semaphore(%arg18 : memref<!tpu.dma_semaphore, #tpu.memory_space<semaphore_mem>>)
      } else {
      }
      %mul3A_322 = arith.constant 5 : i32
      %mul3A_323 = arith.muli %scan3A_136, %mul3A_322 : i32
      %add3A_324 = arith.constant 4 : i32
      %add3A_325 = arith.addi %mul3A_323, %add3A_324 : i32
      %dma_wait3A_326 = arith.constant 4 : i32
      %dma_wait3A_327 = arith.constant 0 : i32
      %dma_wait3A_328 = arith.constant 0 : i32
      %dma_wait3A_329 = tpu.memref_slice %arg7[%dma_wait3A_326, %dma_wait3A_327, %dma_wait3A_328] : memref<5x80x16xf32, #tpu.memory_space<vmem>> -> memref<1x80x16xf32, #tpu.memory_space<vmem>>
      %dma_wait3A_330 = tpu.memref_squeeze %dma_wait3A_329 : memref<1x80x16xf32, #tpu.memory_space<vmem>> -> memref<80x16xf32, #tpu.memory_space<vmem>>
      %dma_wait3A_331 = arith.constant 0 : i32
      %dma_wait3A_332 = arith.constant 0 : i32
      %dma_wait3A_333 = tpu.memref_slice %arg4[%dma_wait3A_331, %dma_wait3A_332] : memref<100000x16xf32, #tpu.memory_space<hbm>> -> memref<80x16xf32, #tpu.memory_space<hbm>>
      %dma_wait3A_334 = arith.constant 0 : i32
      %dma_wait3A_335 = arith.constant 0 : i32
      %dma_wait3A_336 = tpu.memref_slice %arg7[%dma_wait3A_326, %dma_wait3A_334, %dma_wait3A_335] : memref<5x80x16xf32, #tpu.memory_space<vmem>> -> memref<1x80x16xf32, #tpu.memory_space<vmem>>
      %dma_wait3A_337 = tpu.memref_squeeze %dma_wait3A_336 : memref<1x80x16xf32, #tpu.memory_space<vmem>> -> memref<80x16xf32, #tpu.memory_space<vmem>>
      %dma_wait3A_338 = arith.constant 0 : i32
      %dma_wait3A_339 = arith.constant 0 : i32
      %dma_wait3A_340 = tpu.memref_slice %arg4[%dma_wait3A_338, %dma_wait3A_339] : memref<100000x16xf32, #tpu.memory_space<hbm>> -> memref<80x16xf32, #tpu.memory_space<hbm>>
      tpu.wait_dma2 semaphore(%arg14 : memref<!tpu.dma_semaphore, #tpu.memory_space<semaphore_mem>>) src(%dma_wait3A_340 : memref<80x16xf32, #tpu.memory_space<hbm>>) dst(%dma_wait3A_337 : memref<80x16xf32, #tpu.memory_space<vmem>>)
      %dma_wait3A_341 = arith.constant 4 : i32
      %dma_wait3A_342 = arith.constant 0 : i32
      %dma_wait3A_343 = arith.constant 0 : i32
      %dma_wait3A_344 = tpu.memref_slice %arg8[%dma_wait3A_341, %dma_wait3A_342, %dma_wait3A_343] : memref<5x80x16xf32, #tpu.memory_space<vmem>> -> memref<1x80x16xf32, #tpu.memory_space<vmem>>
      %dma_wait3A_345 = tpu.memref_squeeze %dma_wait3A_344 : memref<1x80x16xf32, #tpu.memory_space<vmem>> -> memref<80x16xf32, #tpu.memory_space<vmem>>
      %dma_wait3A_346 = arith.constant 0 : i32
      %dma_wait3A_347 = arith.constant 0 : i32
      %dma_wait3A_348 = tpu.memref_slice %arg3[%dma_wait3A_346, %dma_wait3A_347] : memref<1600000x16xf32, #tpu.memory_space<hbm>> -> memref<80x16xf32, #tpu.memory_space<hbm>>
      %dma_wait3A_349 = arith.constant 0 : i32
      %dma_wait3A_350 = arith.constant 0 : i32
      %dma_wait3A_351 = tpu.memref_slice %arg8[%dma_wait3A_341, %dma_wait3A_349, %dma_wait3A_350] : memref<5x80x16xf32, #tpu.memory_space<vmem>> -> memref<1x80x16xf32, #tpu.memory_space<vmem>>
      %dma_wait3A_352 = tpu.memref_squeeze %dma_wait3A_351 : memref<1x80x16xf32, #tpu.memory_space<vmem>> -> memref<80x16xf32, #tpu.memory_space<vmem>>
      %dma_wait3A_353 = arith.constant 0 : i32
      %dma_wait3A_354 = arith.constant 0 : i32
      %dma_wait3A_355 = tpu.memref_slice %arg3[%dma_wait3A_353, %dma_wait3A_354] : memref<1600000x16xf32, #tpu.memory_space<hbm>> -> memref<80x16xf32, #tpu.memory_space<hbm>>
      tpu.wait_dma2 semaphore(%arg19 : memref<!tpu.dma_semaphore, #tpu.memory_space<semaphore_mem>>) src(%dma_wait3A_355 : memref<80x16xf32, #tpu.memory_space<hbm>>) dst(%dma_wait3A_352 : memref<80x16xf32, #tpu.memory_space<vmem>>)
      %scan3A_356 = arith.constant 0 : i32
      %scan3A_357 = arith.constant 80 : i32
      %scan3A_358 = arith.addi %scan3A_356, %scan3A_357 : i32
      %scan3A_359 = arith.constant 1 : i32
      %scan3A_360 = scf.for %scan3A_369 = %scan3A_356 to %scan3A_358 step %scan3A_359 iter_args(%scan3A_370 = %scan3A_313) -> (vector<16xf32>)  : i32 {
        %get3A = arith.constant 4 : i32
        %get3A_371 = arith.index_cast %get3A : i32 to index
        %get3A_372 = arith.index_cast %scan3A_369 : i32 to index
        %get3A_373 = arith.constant 0 : index
        %get3A_374 = tpu.vector_load %arg8[%get3A_371, %get3A_372, %get3A_373] {strides = array<i32>} : memref<5x80x16xf32, #tpu.memory_space<vmem>>, vector<1x1x16xf32>,
        %get3A_375 = vector.shape_cast %get3A_374 : vector<1x1x16xf32> to vector<16xf32>
        %get3A_376 = arith.constant 4 : i32
        %get3A_377 = arith.index_cast %get3A_376 : i32 to index
        %get3A_378 = arith.index_cast %scan3A_369 : i32 to index
        %get3A_379 = arith.constant 0 : index
        %get3A_380 = tpu.vector_load %arg7[%get3A_377, %get3A_378, %get3A_379] {strides = array<i32>} : memref<5x80x16xf32, #tpu.memory_space<vmem>>, vector<1x1x16xf32>,
        %get3A_381 = vector.shape_cast %get3A_380 : vector<1x1x16xf32> to vector<16xf32>
        %mul3A_382 = arith.mulf %get3A_375, %get3A_381 : vector<16xf32>
        %add3A_383 = arith.addf %scan3A_370, %mul3A_382 : vector<16xf32>
        scf.yield %add3A_383 : vector<16xf32>
      }
      %scan3A_361 = arith.constant 80 : i32
      %add3A_362 = arith.constant 5 : i32
      %add3A_363 = arith.addi %add3A_325, %add3A_362 : i32
      %lt3A_364 = arith.constant 625 : i32
      %lt3A_365 = arith.cmpi slt, %add3A_363, %lt3A_364 : i32
      %convert_element_type3A_366 = arith.extui %lt3A_365 : i1 to i32
      %cond3A_367 = arith.constant 0 : i32
      %cond3A_368 = arith.cmpi ne, %convert_element_type3A_366, %cond3A_367 : i32
      scf.if %cond3A_368 {
        %add3A_369 = arith.constant 5 : i32
        %add3A_370 = arith.addi %add3A_325, %add3A_369 : i32
        %mul3A_371 = arith.constant 80 : i32
        %mul3A_372 = arith.muli %add3A_370, %mul3A_371 : i32
        %dma_start3A_373 = arith.constant 4 : i32
        %dma_start3A_374 = arith.constant 0 : i32
        %dma_start3A_375 = arith.constant 0 : i32
        %dma_start3A_376 = tpu.memref_slice %arg7[%dma_start3A_373, %dma_start3A_374, %dma_start3A_375] : memref<5x80x16xf32, #tpu.memory_space<vmem>> -> memref<1x80x16xf32, #tpu.memory_space<vmem>>
        %dma_start3A_377 = tpu.memref_squeeze %dma_start3A_376 : memref<1x80x16xf32, #tpu.memory_space<vmem>> -> memref<80x16xf32, #tpu.memory_space<vmem>>
        %dma_start3A_378 = tpu.memref_slice %arg6[%mul3A_372] : memref<50000xi32, #tpu.memory_space<vmem>> -> memref<80xi32, #tpu.memory_space<vmem>>
        %dma_start3A_379 = arith.constant 0 : i32
        %dma_start3A_380 = arith.constant 0 : i32
        %dma_start3A_381 = tpu.memref_slice %arg4[%dma_start3A_379, %dma_start3A_380] : memref<100000x16xf32, #tpu.memory_space<hbm>> -> memref<100000x16xf32, #tpu.memory_space<hbm>>
        tpu.enqueue_indirect_dma source(%dma_start3A_381 : memref<100000x16xf32, #tpu.memory_space<hbm>>) target(%dma_start3A_377 : memref<80x16xf32, #tpu.memory_space<vmem>>) offsets(%dma_start3A_378 : memref<80xi32, #tpu.memory_space<vmem>>) semaphore(%arg14 : memref<!tpu.dma_semaphore, #tpu.memory_space<semaphore_mem>>)
        %add3A_382 = arith.addi %mul3A_2, %mul3A_372 : i32
        %dma_start3A_383 = arith.constant 4 : i32
        %dma_start3A_384 = arith.constant 0 : i32
        %dma_start3A_385 = arith.constant 0 : i32
        %dma_start3A_386 = tpu.memref_slice %arg8[%dma_start3A_383, %dma_start3A_384, %dma_start3A_385] : memref<5x80x16xf32, #tpu.memory_space<vmem>> -> memref<1x80x16xf32, #tpu.memory_space<vmem>>
        %dma_start3A_387 = tpu.memref_squeeze %dma_start3A_386 : memref<1x80x16xf32, #tpu.memory_space<vmem>> -> memref<80x16xf32, #tpu.memory_space<vmem>>
        %dma_start3A_388 = arith.constant 0 : i32
        %dma_start3A_389 = tpu.memref_slice %arg3[%add3A_382, %dma_start3A_388] : memref<1600000x16xf32, #tpu.memory_space<hbm>> -> memref<80x16xf32, #tpu.memory_space<hbm>>
        %dma_start3A_390 = arith.constant 0 : i32
        %dma_start3A_391 = arith.constant 0 : i32
        %dma_start3A_392 = tpu.memref_slice %arg8[%dma_start3A_383, %dma_start3A_390, %dma_start3A_391] : memref<5x80x16xf32, #tpu.memory_space<vmem>> -> memref<1x80x16xf32, #tpu.memory_space<vmem>>
        %dma_start3A_393 = tpu.memref_squeeze %dma_start3A_392 : memref<1x80x16xf32, #tpu.memory_space<vmem>> -> memref<80x16xf32, #tpu.memory_space<vmem>>
        %dma_start3A_394 = arith.constant 0 : i32
        %dma_start3A_395 = tpu.memref_slice %arg3[%add3A_382, %dma_start3A_394] : memref<1600000x16xf32, #tpu.memory_space<hbm>> -> memref<80x16xf32, #tpu.memory_space<hbm>>
        tpu.enqueue_dma source(%dma_start3A_395 : memref<80x16xf32, #tpu.memory_space<hbm>>) target(%dma_start3A_393 : memref<80x16xf32, #tpu.memory_space<vmem>>) target_semaphore(%arg19 : memref<!tpu.dma_semaphore, #tpu.memory_space<semaphore_mem>>)
      } else {
      }
      scf.yield %scan3A_360 : vector<16xf32>
    }
    %scan3A_132 = arith.constant 125 : i32
    %swap3A = arith.constant 0 : index
    %swap3A_133 = tpu.vector_load %arg9[%swap3A] {strides = array<i32>} : memref<16xf32, #tpu.memory_space<vmem>>, vector<16xf32>,
    %swap3A_134 = vector.shape_cast %swap3A_133 : vector<16xf32> to vector<16xf32>
    %swap3A_135 = vector.shape_cast %scan3A_131 : vector<16xf32> to vector<16xf32>
    tpu.vector_store %arg9[%swap3A], %swap3A_135 {strides = array<i32>} : memref<16xf32, #tpu.memory_space<vmem>>, vector<16xf32>,
    "tpu.region"() ({
      %run_scoped3A = tpu.sem_alloc : memref<!tpu.dma_semaphore, #tpu.memory_space<semaphore_mem>>
      %dma_start3A_136 = arith.constant 0 : i32
      %dma_start3A_137 = tpu.memref_slice %arg5[%add3A, %dma_start3A_136] : memref<32x16xf32, #tpu.memory_space<hbm>> -> memref<1x16xf32, #tpu.memory_space<hbm>>
      %dma_start3A_138 = tpu.memref_squeeze %dma_start3A_137 : memref<1x16xf32, #tpu.memory_space<hbm>> -> memref<16xf32, #tpu.memory_space<hbm>>
      %dma_start3A_139 = arith.constant 0 : i32
      %dma_start3A_140 = tpu.memref_slice %arg5[%add3A, %dma_start3A_139] : memref<32x16xf32, #tpu.memory_space<hbm>> -> memref<1x16xf32, #tpu.memory_space<hbm>>
      %dma_start3A_141 = tpu.memref_squeeze %dma_start3A_140 : memref<1x16xf32, #tpu.memory_space<hbm>> -> memref<16xf32, #tpu.memory_space<hbm>>
      tpu.enqueue_dma source(%arg9 : memref<16xf32, #tpu.memory_space<vmem>>) target(%dma_start3A_141 : memref<16xf32, #tpu.memory_space<hbm>>) target_semaphore(%run_scoped3A : memref<!tpu.dma_semaphore, #tpu.memory_space<semaphore_mem>>)
      %dma_wait3A = arith.constant 0 : i32
      %dma_wait3A_142 = tpu.memref_slice %arg5[%add3A, %dma_wait3A] : memref<32x16xf32, #tpu.memory_space<hbm>> -> memref<1x16xf32, #tpu.memory_space<hbm>>
      %dma_wait3A_143 = tpu.memref_squeeze %dma_wait3A_142 : memref<1x16xf32, #tpu.memory_space<hbm>> -> memref<16xf32, #tpu.memory_space<hbm>>
      %dma_wait3A_144 = arith.constant 0 : i32
      %dma_wait3A_145 = tpu.memref_slice %arg5[%add3A, %dma_wait3A_144] : memref<32x16xf32, #tpu.memory_space<hbm>> -> memref<1x16xf32, #tpu.memory_space<hbm>>
      %dma_wait3A_146 = tpu.memref_squeeze %dma_wait3A_145 : memref<1x16xf32, #tpu.memory_space<hbm>> -> memref<16xf32, #tpu.memory_space<hbm>>
      tpu.wait_dma2 semaphore(%run_scoped3A : memref<!tpu.dma_semaphore, #tpu.memory_space<semaphore_mem>>) src(%arg9 : memref<16xf32, #tpu.memory_space<vmem>>) dst(%dma_wait3A_146 : memref<16xf32, #tpu.memory_space<hbm>>)
      tpu.yield
    }) : () -> ()
    return
  }
}

module attributes {stable_mosaic.version = 14 : i64} {
  func.func @_coeff_body(%arg0: i32, %arg1: memref<8000x3xf32, #tpu.memory_space<vmem>>, %arg2: memref<3x16xf32, #tpu.memory_space<vmem>>, %arg3: memref<3x48xf32, #tpu.memory_space<vmem>>, %arg4: memref<16x128xf32, #tpu.memory_space<vmem>>, %arg5: memref<1x128xf32, #tpu.memory_space<vmem>>, %arg6: memref<128x64xf32, #tpu.memory_space<vmem>>, %arg7: memref<1x64xf32, #tpu.memory_space<vmem>>, %arg8: memref<8000x16xf32, #tpu.memory_space<vmem>>) attributes {dimension_semantics = [#tpu.dimension_semantics<arbitrary>], iteration_bounds = array<i64: 200>, scalar_prefetch = 0 : i64, scratch_operands = 0 : i64, tpu.core_type = #tpu.core_type<tc>, window_params = [{transform_indices = @transform_0, window_bounds = array<i64: 8000, 3>}, {pipeline_mode = #tpu.pipeline_mode<synchronous>, transform_indices = @transform_1, window_bounds = array<i64: 3, 16>}, {pipeline_mode = #tpu.pipeline_mode<synchronous>, transform_indices = @transform_2, window_bounds = array<i64: 3, 48>}, {pipeline_mode = #tpu.pipeline_mode<synchronous>, transform_indices = @transform_3, window_bounds = array<i64: 16, 128>}, {pipeline_mode = #tpu.pipeline_mode<synchronous>, transform_indices = @transform_4, window_bounds = array<i64: 1, 128>}, {pipeline_mode = #tpu.pipeline_mode<synchronous>, transform_indices = @transform_5, window_bounds = array<i64: 128, 64>}, {pipeline_mode = #tpu.pipeline_mode<synchronous>, transform_indices = @transform_6, window_bounds = array<i64: 1, 64>}, {transform_indices = @transform_7, window_bounds = array<i64: 8000, 16>}]} {
    %get3A = arith.constant 0 : index
    %get3A_0 = arith.constant 0 : index
    %get3A_1 = vector.load %arg1[%get3A, %get3A_0] : memref<8000x3xf32, #tpu.memory_space<vmem>>, vector<8000x3xf32>
    %mul3A = arith.mulf %get3A_1, %get3A_1 : vector<8000x3xf32>
    %convert_element_type3A = arith.truncf %mul3A : vector<8000x3xf32> to vector<8000x3xbf16>
    %convert_element_type3A_2 = arith.extf %convert_element_type3A : vector<8000x3xbf16> to vector<8000x3xf32>
    %get3A_3 = arith.constant 0 : index
    %get3A_4 = arith.constant 0 : index
    %get3A_5 = vector.load %arg2[%get3A_3, %get3A_4] : memref<3x16xf32, #tpu.memory_space<vmem>>, vector<3x16xf32>
    %dot_general3A = arith.constant dense<0.000000e+00> : vector<8000x16xf32>
    %dot_general3A_6 = tpu.matmul %convert_element_type3A_2, %get3A_5, %dot_general3A {dimension_numbers = #tpu.dot_dimension_numbers<[1], [0], [0], [1], [0, 0, 1, 1], [], []>, transpose_lhs_hint = false} : vector<8000x3xf32>, vector<3x16xf32>, vector<8000x16xf32> -> vector<8000x16xf32>
    %sub3A = arith.subf %mul3A, %convert_element_type3A_2 : vector<8000x3xf32>
    %get3A_7 = arith.constant 0 : index
    %get3A_8 = arith.constant 0 : index
    %get3A_9 = vector.load %arg2[%get3A_7, %get3A_8] : memref<3x16xf32, #tpu.memory_space<vmem>>, vector<3x16xf32>
    %dot_general3A_10 = arith.constant dense<0.000000e+00> : vector<8000x16xf32>
    %dot_general3A_11 = tpu.matmul %sub3A, %get3A_9, %dot_general3A_10 {dimension_numbers = #tpu.dot_dimension_numbers<[1], [0], [0], [1], [0, 0, 1, 1], [], []>, transpose_lhs_hint = false} : vector<8000x3xf32>, vector<3x16xf32>, vector<8000x16xf32> -> vector<8000x16xf32>
    %add3A = arith.addf %dot_general3A_6, %dot_general3A_11 : vector<8000x16xf32>
    %sqrt3A = math.sqrt %add3A : vector<8000x16xf32>
    %add3A_12 = arith.constant 9.99999996E-13 : f32
    %add3A_13 = vector.broadcast %add3A_12 : f32 to vector<8000x16xf32>
    %add3A_14 = arith.addf %sqrt3A, %add3A_13 : vector<8000x16xf32>
    %div3A = arith.constant 1.73205078 : f32
    %div3A_15 = vector.broadcast %div3A : f32 to vector<8000x16xf32>
    %div3A_16 = arith.divf %div3A_15, %add3A_14 : vector<8000x16xf32>
    %iota3A = tpu.iota {dimensions = array<i32: 1>} : vector<1x16xi32>
    %convert_element_type3A_17 = arith.sitofp %iota3A : vector<1x16xi32> to vector<1x16xf32>
    %mul3A_18 = arith.constant 2.200000e+00 : f32
    %mul3A_19 = vector.broadcast %mul3A_18 : f32 to vector<8000x16xf32>
    %mul3A_20 = arith.mulf %sqrt3A, %mul3A_19 : vector<8000x16xf32>
    %add3A_21 = arith.constant 1.000000e+00 : f32
    %add3A_22 = vector.broadcast %add3A_21 : f32 to vector<1x16xf32>
    %add3A_23 = arith.addf %convert_element_type3A_17, %add3A_22 : vector<1x16xf32>
    %sub3A_24 = vector.broadcast %add3A_23 : vector<1x16xf32> to vector<8000x16xf32>
    %sub3A_25 = arith.subf %mul3A_20, %sub3A_24 : vector<8000x16xf32>
    %gt3A = arith.constant -1.000000e+00 : f32
    %gt3A_26 = vector.broadcast %gt3A : f32 to vector<8000x16xf32>
    %gt3A_27 = arith.cmpf ogt, %sub3A_25, %gt3A_26 : vector<8000x16xf32>
    %lt3A = arith.constant 1.000000e+00 : f32
    %lt3A_28 = vector.broadcast %lt3A : f32 to vector<8000x16xf32>
    %lt3A_29 = arith.cmpf olt, %sub3A_25, %lt3A_28 : vector<8000x16xf32>
    %and3A = arith.andi %gt3A_27, %lt3A_29 : vector<8000x16xi1>
    %jit3A = arith.constant -1.000000e+00 : f32
    %jit3A_30 = arith.constant 1.000000e+00 : f32
    %max3A = vector.broadcast %jit3A : f32 to vector<8000x16xf32>
    %max3A_31 = arith.maximumf %max3A, %sub3A_25 : vector<8000x16xf32>
    %min3A = vector.broadcast %jit3A_30 : f32 to vector<8000x16xf32>
    %min3A_32 = arith.minimumf %min3A, %max3A_31 : vector<8000x16xf32>
    %mul3A_33 = arith.mulf %min3A_32, %min3A_32 : vector<8000x16xf32>
    %mul3A_34 = arith.constant 2.46740103 : f32
    %mul3A_35 = vector.broadcast %mul3A_34 : f32 to vector<8000x16xf32>
    %mul3A_36 = arith.mulf %mul3A_35, %mul3A_33 : vector<8000x16xf32>
    %mul3A_37 = arith.constant -2.755732E-7 : f32
    %mul3A_38 = vector.broadcast %mul3A_37 : f32 to vector<8000x16xf32>
    %mul3A_39 = arith.mulf %mul3A_36, %mul3A_38 : vector<8000x16xf32>
    %add3A_40 = arith.constant 2.48015876E-5 : f32
    %add3A_41 = vector.broadcast %add3A_40 : f32 to vector<8000x16xf32>
    %add3A_42 = arith.addf %add3A_41, %mul3A_39 : vector<8000x16xf32>
    %mul3A_43 = arith.mulf %mul3A_36, %add3A_42 : vector<8000x16xf32>
    %add3A_44 = arith.constant -0.00138888892 : f32
    %add3A_45 = vector.broadcast %add3A_44 : f32 to vector<8000x16xf32>
    %add3A_46 = arith.addf %add3A_45, %mul3A_43 : vector<8000x16xf32>
    %mul3A_47 = arith.mulf %mul3A_36, %add3A_46 : vector<8000x16xf32>
    %add3A_48 = arith.constant 0.0416666679 : f32
    %add3A_49 = vector.broadcast %add3A_48 : f32 to vector<8000x16xf32>
    %add3A_50 = arith.addf %add3A_49, %mul3A_47 : vector<8000x16xf32>
    %mul3A_51 = arith.mulf %mul3A_36, %add3A_50 : vector<8000x16xf32>
    %add3A_52 = arith.constant -5.000000e-01 : f32
    %add3A_53 = vector.broadcast %add3A_52 : f32 to vector<8000x16xf32>
    %add3A_54 = arith.addf %add3A_53, %mul3A_51 : vector<8000x16xf32>
    %mul3A_55 = arith.mulf %mul3A_36, %add3A_54 : vector<8000x16xf32>
    %add3A_56 = arith.constant 1.000000e+00 : f32
    %add3A_57 = vector.broadcast %add3A_56 : f32 to vector<8000x16xf32>
    %add3A_58 = arith.addf %add3A_57, %mul3A_55 : vector<8000x16xf32>
    %jit3A_59 = arith.constant 0.000000e+00 : f32
    %broadcast_in_dim3A = vector.broadcast %jit3A_59 : f32 to vector<8000x16xf32>
    %select_n3A = arith.select %and3A, %add3A_58, %broadcast_in_dim3A : vector<8000x16xi1>, vector<8000x16xf32>
    %mul3A_60 = arith.constant 3.1622777 : f32
    %mul3A_61 = vector.broadcast %mul3A_60 : f32 to vector<8000x16xf32>
    %mul3A_62 = arith.mulf %select_n3A, %mul3A_61 : vector<8000x16xf32>
    %get3A_63 = arith.constant 0 : index
    %get3A_64 = arith.constant 0 : index
    %get3A_65 = vector.load %arg4[%get3A_63, %get3A_64] : memref<16x128xf32, #tpu.memory_space<vmem>>, vector<16x128xf32>
    %dot_general3A_66 = arith.constant dense<0.000000e+00> : vector<8000x128xf32>
    %dot_general3A_67 = tpu.matmul %mul3A_62, %get3A_65, %dot_general3A_66 {dimension_numbers = #tpu.dot_dimension_numbers<[1], [0], [0], [1], [0, 0, 1, 1], [], []>, transpose_lhs_hint = false} : vector<8000x16xf32>, vector<16x128xf32>, vector<8000x128xf32> -> vector<8000x128xf32>
    %get3A_68 = arith.constant 0 : index
    %get3A_69 = arith.constant 0 : index
    %get3A_70 = vector.load %arg5[%get3A_68, %get3A_69] : memref<1x128xf32, #tpu.memory_space<vmem>>, vector<1x128xf32>
    %add3A_71 = vector.broadcast %get3A_70 : vector<1x128xf32> to vector<8000x128xf32>
    %add3A_72 = arith.addf %dot_general3A_67, %add3A_71 : vector<8000x128xf32>
    %max3A_73 = arith.constant 0.000000e+00 : f32
    %max3A_74 = vector.broadcast %max3A_73 : f32 to vector<8000x128xf32>
    %max3A_75 = arith.maximumf %add3A_72, %max3A_74 : vector<8000x128xf32>
    %get3A_76 = arith.constant 0 : index
    %get3A_77 = arith.constant 0 : index
    %get3A_78 = vector.load %arg6[%get3A_76, %get3A_77] : memref<128x64xf32, #tpu.memory_space<vmem>>, vector<128x64xf32>
    %dot_general3A_79 = arith.constant dense<0.000000e+00> : vector<8000x64xf32>
    %dot_general3A_80 = tpu.matmul %max3A_75, %get3A_78, %dot_general3A_79 {dimension_numbers = #tpu.dot_dimension_numbers<[1], [0], [0], [1], [0, 0, 1, 1], [], []>, transpose_lhs_hint = false} : vector<8000x128xf32>, vector<128x64xf32>, vector<8000x64xf32> -> vector<8000x64xf32>
    %get3A_81 = arith.constant 0 : index
    %get3A_82 = arith.constant 0 : index
    %get3A_83 = vector.load %arg7[%get3A_81, %get3A_82] : memref<1x64xf32, #tpu.memory_space<vmem>>, vector<1x64xf32>
    %add3A_84 = vector.broadcast %get3A_83 : vector<1x64xf32> to vector<8000x64xf32>
    %add3A_85 = arith.addf %dot_general3A_80, %add3A_84 : vector<8000x64xf32>
    %convert_element_type3A_86 = arith.truncf %get3A_1 : vector<8000x3xf32> to vector<8000x3xbf16>
    %convert_element_type3A_87 = arith.extf %convert_element_type3A_86 : vector<8000x3xbf16> to vector<8000x3xf32>
    %get3A_88 = arith.constant 0 : index
    %get3A_89 = arith.constant 0 : index
    %get3A_90 = vector.load %arg3[%get3A_88, %get3A_89] : memref<3x48xf32, #tpu.memory_space<vmem>>, vector<3x48xf32>
    %dot_general3A_91 = arith.constant dense<0.000000e+00> : vector<8000x48xf32>
    %dot_general3A_92 = tpu.matmul %convert_element_type3A_87, %get3A_90, %dot_general3A_91 {dimension_numbers = #tpu.dot_dimension_numbers<[1], [0], [0], [1], [0, 0, 1, 1], [], []>, transpose_lhs_hint = false} : vector<8000x3xf32>, vector<3x48xf32>, vector<8000x48xf32> -> vector<8000x48xf32>
    %sub3A_93 = arith.subf %get3A_1, %convert_element_type3A_87 : vector<8000x3xf32>
    %get3A_94 = arith.constant 0 : index
    %get3A_95 = arith.constant 0 : index
    %get3A_96 = vector.load %arg3[%get3A_94, %get3A_95] : memref<3x48xf32, #tpu.memory_space<vmem>>, vector<3x48xf32>
    %dot_general3A_97 = arith.constant dense<0.000000e+00> : vector<8000x48xf32>
    %dot_general3A_98 = tpu.matmul %sub3A_93, %get3A_96, %dot_general3A_97 {dimension_numbers = #tpu.dot_dimension_numbers<[1], [0], [0], [1], [0, 0, 1, 1], [], []>, transpose_lhs_hint = false} : vector<8000x3xf32>, vector<3x48xf32>, vector<8000x48xf32> -> vector<8000x48xf32>
    %add3A_99 = arith.addf %dot_general3A_92, %dot_general3A_98 : vector<8000x48xf32>
    %slice3A = vector.extract_strided_slice %add3A_85 {offsets = [0, 16], sizes = [8000, 48], strides = [1, 1]} : vector<8000x64xf32> to vector<8000x48xf32>
    %mul3A_100 = arith.mulf %add3A_99, %slice3A : vector<8000x48xf32>
    %slice3A_101 = vector.extract_strided_slice %add3A_85 {offsets = [0, 0], sizes = [8000, 16], strides = [1, 1]} : vector<8000x64xf32> to vector<8000x16xf32>
    %slice3A_102 = vector.extract_strided_slice %mul3A_100 {offsets = [0, 0], sizes = [8000, 16], strides = [1, 1]} : vector<8000x48xf32> to vector<8000x16xf32>
    %slice3A_103 = vector.extract_strided_slice %mul3A_100 {offsets = [0, 16], sizes = [8000, 16], strides = [1, 1]} : vector<8000x48xf32> to vector<8000x16xf32>
    %add3A_104 = arith.addf %slice3A_102, %slice3A_103 : vector<8000x16xf32>
    %slice3A_105 = vector.extract_strided_slice %mul3A_100 {offsets = [0, 32], sizes = [8000, 16], strides = [1, 1]} : vector<8000x48xf32> to vector<8000x16xf32>
    %add3A_106 = arith.addf %add3A_104, %slice3A_105 : vector<8000x16xf32>
    %mul3A_107 = arith.mulf %div3A_16, %add3A_106 : vector<8000x16xf32>
    %add3A_108 = arith.addf %slice3A_101, %mul3A_107 : vector<8000x16xf32>
    %swap3A = arith.constant 0 : index
    %swap3A_109 = arith.constant 0 : index
    %swap3A_110 = vector.load %arg8[%swap3A, %swap3A_109] : memref<8000x16xf32, #tpu.memory_space<vmem>>, vector<8000x16xf32>
    tpu.vector_store %arg8[%swap3A, %swap3A_109], %add3A_108 {strides = array<i32>} : memref<8000x16xf32, #tpu.memory_space<vmem>>, vector<8000x16xf32>,
    return
  }
  func.func @transform_0(%arg0: i32) -> (i32, i32) {
    %c0_i32 = arith.constant 0 : i32
    %c0_i32_0 = arith.constant 0 : i32
    return %arg0, %c0_i32 : i32, i32
  }
  func.func @transform_1(%arg0: i32) -> (i32, i32) {
    %c0_i32 = arith.constant 0 : i32
    %c0_i32_0 = arith.constant 0 : i32
    %c0_i32_1 = arith.constant 0 : i32
    return %c0_i32, %c0_i32_0 : i32, i32
  }
  func.func @transform_2(%arg0: i32) -> (i32, i32) {
    %c0_i32 = arith.constant 0 : i32
    %c0_i32_0 = arith.constant 0 : i32
    %c0_i32_1 = arith.constant 0 : i32
    return %c0_i32, %c0_i32_0 : i32, i32
  }
  func.func @transform_3(%arg0: i32) -> (i32, i32) {
    %c0_i32 = arith.constant 0 : i32
    %c0_i32_0 = arith.constant 0 : i32
    %c0_i32_1 = arith.constant 0 : i32
    return %c0_i32, %c0_i32_0 : i32, i32
  }
  func.func @transform_4(%arg0: i32) -> (i32, i32) {
    %c0_i32 = arith.constant 0 : i32
    %c0_i32_0 = arith.constant 0 : i32
    %c0_i32_1 = arith.constant 0 : i32
    return %c0_i32, %c0_i32_0 : i32, i32
  }
  func.func @transform_5(%arg0: i32) -> (i32, i32) {
    %c0_i32 = arith.constant 0 : i32
    %c0_i32_0 = arith.constant 0 : i32
    %c0_i32_1 = arith.constant 0 : i32
    return %c0_i32, %c0_i32_0 : i32, i32
  }
  func.func @transform_6(%arg0: i32) -> (i32, i32) {
    %c0_i32 = arith.constant 0 : i32
    %c0_i32_0 = arith.constant 0 : i32
    %c0_i32_1 = arith.constant 0 : i32
    return %c0_i32, %c0_i32_0 : i32, i32
  }
  func.func @transform_7(%arg0: i32) -> (i32, i32) {
    %c0_i32 = arith.constant 0 : i32
    %c0_i32_0 = arith.constant 0 : i32
    return %arg0, %c0_i32 : i32, i32
  }
}

module attributes {stable_mosaic.version = 14 : i64} {
  func.func @_final_body(%arg0: i32, %arg1: memref<10000x16xf32, #tpu.memory_space<vmem>>, %arg2: memref<32x16xf32, #tpu.memory_space<vmem>>, %arg3: memref<16x16xf32, #tpu.memory_space<vmem>>, %arg4: memref<16x16xf32, #tpu.memory_space<vmem>>, %arg5: memref<1x1xf32, #tpu.memory_space<vmem>>, %arg6: memref<1x16xf32, #tpu.memory_space<vmem>>) attributes {dimension_semantics = [#tpu.dimension_semantics<arbitrary>], iteration_bounds = array<i64: 10>, scalar_prefetch = 0 : i64, scratch_operands = 0 : i64, tpu.core_type = #tpu.core_type<tc>, window_params = [{transform_indices = @transform_0, window_bounds = array<i64: 10000, 16>}, {pipeline_mode = #tpu.pipeline_mode<synchronous>, transform_indices = @transform_1, window_bounds = array<i64: 32, 16>}, {pipeline_mode = #tpu.pipeline_mode<synchronous>, transform_indices = @transform_2, window_bounds = array<i64: 16, 16>}, {pipeline_mode = #tpu.pipeline_mode<synchronous>, transform_indices = @transform_3, window_bounds = array<i64: 16, 16>}, {pipeline_mode = #tpu.pipeline_mode<synchronous>, transform_indices = @transform_4, window_bounds = array<i64: 1, 1>}, {pipeline_mode = #tpu.pipeline_mode<synchronous>, transform_indices = @transform_5, window_bounds = array<i64: 1, 16>}]} {
    %get3A = arith.constant 0 : index
    %get3A_0 = arith.constant 0 : index
    %get3A_1 = vector.load %arg1[%get3A, %get3A_0] : memref<10000x16xf32, #tpu.memory_space<vmem>>, vector<10000x16xf32>
    %reduce_sum3A = arith.constant dense<0.000000e+00> : vector<16xf32>
    %reduce_sum3A_2 = vector.multi_reduction <add>, %get3A_1, %reduce_sum3A [0] : vector<10000x16xf32> to vector<16xf32>
    %broadcast_in_dim3A = vector.shape_cast %reduce_sum3A_2 : vector<16xf32> to vector<1x16xf32>
    %eq3A = arith.constant 0 : i32
    %eq3A_3 = arith.cmpi eq, %arg0, %eq3A : i32
    %convert_element_type3A = arith.extui %eq3A_3 : i1 to i32
    %cond3A = arith.constant 0 : i32
    %cond3A_4 = arith.cmpi ne, %convert_element_type3A, %cond3A : i32
    scf.if %cond3A_4 {
      %swap3A = arith.constant 0 : index
      %swap3A_14 = arith.constant 0 : index
      %swap3A_15 = vector.load %arg6[%swap3A, %swap3A_14] : memref<1x16xf32, #tpu.memory_space<vmem>>, vector<1x16xf32>
      tpu.vector_store %arg6[%swap3A, %swap3A_14], %broadcast_in_dim3A {strides = array<i32>} : memref<1x16xf32, #tpu.memory_space<vmem>>, vector<1x16xf32>,
    } else {
    }
    %gt3A = arith.constant 0 : i32
    %gt3A_5 = arith.cmpi sgt, %arg0, %gt3A : i32
    %convert_element_type3A_6 = arith.extui %gt3A_5 : i1 to i32
    %cond3A_7 = arith.constant 0 : i32
    %cond3A_8 = arith.cmpi ne, %convert_element_type3A_6, %cond3A_7 : i32
    scf.if %cond3A_8 {
      %get3A_14 = arith.constant 0 : index
      %get3A_15 = arith.constant 0 : index
      %get3A_16 = vector.load %arg6[%get3A_14, %get3A_15] : memref<1x16xf32, #tpu.memory_space<vmem>>, vector<1x16xf32>
      %add3A = arith.addf %get3A_16, %broadcast_in_dim3A : vector<1x16xf32>
      %swap3A = arith.constant 0 : index
      %swap3A_17 = arith.constant 0 : index
      %swap3A_18 = vector.load %arg6[%swap3A, %swap3A_17] : memref<1x16xf32, #tpu.memory_space<vmem>>, vector<1x16xf32>
      tpu.vector_store %arg6[%swap3A, %swap3A_17], %add3A {strides = array<i32>} : memref<1x16xf32, #tpu.memory_space<vmem>>, vector<1x16xf32>,
    } else {
    }
    %eq3A_9 = arith.constant 9 : i32
    %eq3A_10 = arith.cmpi eq, %arg0, %eq3A_9 : i32
    %convert_element_type3A_11 = arith.extui %eq3A_10 : i1 to i32
    %cond3A_12 = arith.constant 0 : i32
    %cond3A_13 = arith.cmpi ne, %convert_element_type3A_11, %cond3A_12 : i32
    scf.if %cond3A_13 {
      %get3A_14 = arith.constant 0 : index
      %get3A_15 = arith.constant 0 : index
      %get3A_16 = vector.load %arg6[%get3A_14, %get3A_15] : memref<1x16xf32, #tpu.memory_space<vmem>>, vector<1x16xf32>
      %get3A_17 = arith.constant 0 : index
      %get3A_18 = arith.constant 0 : index
      %get3A_19 = vector.load %arg2[%get3A_17, %get3A_18] : memref<32x16xf32, #tpu.memory_space<vmem>>, vector<32x16xf32>
      %reduce_sum3A_20 = arith.constant dense<0.000000e+00> : vector<16xf32>
      %reduce_sum3A_21 = vector.multi_reduction <add>, %get3A_19, %reduce_sum3A_20 [0] : vector<32x16xf32> to vector<16xf32>
      %broadcast_in_dim3A_22 = vector.shape_cast %reduce_sum3A_21 : vector<16xf32> to vector<1x16xf32>
      %get3A_23 = arith.constant 0 : index
      %get3A_24 = arith.constant 0 : index
      %get3A_25 = vector.load %arg3[%get3A_23, %get3A_24] : memref<16x16xf32, #tpu.memory_space<vmem>>, vector<16x16xf32>
      %dot_general3A = arith.constant dense<0.000000e+00> : vector<1x16xf32>
      %dot_general3A_26 = tpu.matmul %get3A_16, %get3A_25, %dot_general3A {dimension_numbers = #tpu.dot_dimension_numbers<[1], [0], [0], [1], [0, 0, 1, 1], [], []>, transpose_lhs_hint = false} : vector<1x16xf32>, vector<16x16xf32>, vector<1x16xf32> -> vector<1x16xf32>
      %get3A_27 = arith.constant 0 : index
      %get3A_28 = arith.constant 0 : index
      %get3A_29 = vector.load %arg4[%get3A_27, %get3A_28] : memref<16x16xf32, #tpu.memory_space<vmem>>, vector<16x16xf32>
      %dot_general3A_30 = arith.constant dense<0.000000e+00> : vector<1x16xf32>
      %dot_general3A_31 = tpu.matmul %broadcast_in_dim3A_22, %get3A_29, %dot_general3A_30 {dimension_numbers = #tpu.dot_dimension_numbers<[1], [0], [0], [1], [0, 0, 1, 1], [], []>, transpose_lhs_hint = false} : vector<1x16xf32>, vector<16x16xf32>, vector<1x16xf32> -> vector<1x16xf32>
      %mul3A = arith.constant 2.500000e-01 : f32
      %mul3A_32 = vector.broadcast %mul3A : f32 to vector<1x16xf32>
      %mul3A_33 = arith.mulf %mul3A_32, %dot_general3A_31 : vector<1x16xf32>
      %add3A = arith.addf %dot_general3A_26, %mul3A_33 : vector<1x16xf32>
      %get3A_34 = arith.constant 0 : index
      %get3A_35 = arith.constant 0 : index
      %get3A_36 = vector.load %arg5[%get3A_34, %get3A_35] : memref<1x1xf32, #tpu.memory_space<vmem>>, vector<1x1xf32>
      %mul3A_37 = vector.broadcast %get3A_36 : vector<1x1xf32> to vector<1x16xf32>
      %mul3A_38 = arith.mulf %add3A, %mul3A_37 : vector<1x16xf32>
      %swap3A = arith.constant 0 : index
      %swap3A_39 = arith.constant 0 : index
      %swap3A_40 = vector.load %arg6[%swap3A, %swap3A_39] : memref<1x16xf32, #tpu.memory_space<vmem>>, vector<1x16xf32>
      tpu.vector_store %arg6[%swap3A, %swap3A_39], %mul3A_38 {strides = array<i32>} : memref<1x16xf32, #tpu.memory_space<vmem>>, vector<1x16xf32>,
    } else {
    }
    return
  }
  func.func @transform_0(%arg0: i32) -> (i32, i32) {
    %c0_i32 = arith.constant 0 : i32
    %c0_i32_0 = arith.constant 0 : i32
    return %arg0, %c0_i32 : i32, i32
  }
  func.func @transform_1(%arg0: i32) -> (i32, i32) {
    %c0_i32 = arith.constant 0 : i32
    %c0_i32_0 = arith.constant 0 : i32
    %c0_i32_1 = arith.constant 0 : i32
    return %c0_i32, %c0_i32_0 : i32, i32
  }
  func.func @transform_2(%arg0: i32) -> (i32, i32) {
    %c0_i32 = arith.constant 0 : i32
    %c0_i32_0 = arith.constant 0 : i32
    %c0_i32_1 = arith.constant 0 : i32
    return %c0_i32, %c0_i32_0 : i32, i32
  }
  func.func @transform_3(%arg0: i32) -> (i32, i32) {
    %c0_i32 = arith.constant 0 : i32
    %c0_i32_0 = arith.constant 0 : i32
    %c0_i32_1 = arith.constant 0 : i32
    return %c0_i32, %c0_i32_0 : i32, i32
  }
  func.func @transform_4(%arg0: i32) -> (i32, i32) {
    %c0_i32 = arith.constant 0 : i32
    %c0_i32_0 = arith.constant 0 : i32
    %c0_i32_1 = arith.constant 0 : i32
    return %c0_i32, %c0_i32_0 : i32, i32
  }
  func.func @transform_5(%arg0: i32) -> (i32, i32) {
    %c0_i32 = arith.constant 0 : i32
    %c0_i32_0 = arith.constant 0 : i32
    %c0_i32_1 = arith.constant 0 : i32
    return %c0_i32, %c0_i32_0 : i32, i32
  }
}

</mosaic_0001>

<sc_bundles>
// kernel: kernel.5.cloned.1.call-start
scs
__scs_entry_jumppad:
0x0: {  	(pc) =	sbr.rel $0x88, $3  }
0x1: {  	(tag) =	ssettag $0x0;
	lr =	simm.s32 $0x1  }
0x2: {  	[smem:$0x3F97] =	sst lr;
	_ =	strace $0xD0000000  }
0x3: {  	_ = 	snop  }
0x4: {  	_ = 	snop  }
0x5: {  	_ = 	snop  }
0x6: {  	_ = 	snop  }
0x7: {  	_ = 	snop  }
__scs_overlays_trampoline_lowered:
0x8: {  	[smem:$0x3FA6] =	sst s0  }
0x9: {  	[smem:$0x3FA7] =	sst s1  }
0xa: {  	[smem:$0x3FA8] =	sst s2  }
0xb: {  	[smem:$0x3FA9] =	sst s3  }
0xc: {  	[smem:$0x3FAA] =	sst s4  }
0xd: {  	[smem:$0x3FAB] =	sst s5  }
0xe: {  	[smem:$0x3FAC] =	sst s6  }
0xf: {  	[smem:$0x3FAD] =	sst s7  }
0x10: {  	[smem:$0x3FAE] =	sst s8  }
0x11: {  	[smem:$0x3FAF] =	sst s9;
	s0 =	simm.s32 @!p0 $0x0  }
0x12: {  	s1 =	sld [smem:$0x3F95];
	s0 =	simm.s32 @p0 $0x1  }
0x13: {  	[smem:$0x3FB0] =	sst s0;
	s0 =	simm.s32 @!p1 $0x0  }
0x14: {  	s2 =	sld [smem:$0x3F94];
	s0 =	simm.s32 @p1 $0x1  }
0x15: {  	[smem:$0x3FB1] =	sst s0;
	s0 =	simm.s32 @!p2 $0x0  }
0x16: {  	s3 =	sld [smem:$0x3FDB];
	s0 =	simm.s32 @p2 $0x1  }
0x17: {  	s4 =	simm.s32 $0x1BF5;
	[smem:$0x3FB3] =	sst s0  }
0x18: {  	s0 =	sld [smem:$0x3F96];
	_ =	swait.ge [sflag:s4], $0x0  }
0x19: {  	s7 =	sld [smem:$0x3F97]  }
0x1a: {  	s8 =	sadd.s32 $0xFFFFE003, lr  }
0x1b: {  	s9 =	sadd.s32 $0xFFFFFEF7, lr;
	s5 =	simm.s32 $0xFFFFFFFF;
	p2 =	slt.u32 s8, $0xFFFFF086  }
0x1c: {  	p1 =	slt.u32 s9, $0xF7A;
	s5 =	simm.s32 @!p2 $0x0  }
0x1d: {  	s5 =	simm.s32 @p1 $0x1;
	p0 =	seq.s32 s7, s2  }
0x1e: {  	s7 =	smul.u32 @!p0 $0xF7A, s2;
	p2 =	seq.s32 @!p0 s5, $0x0  }
0x1f: {  	s9 =	smul.u32 $0xF7A, s1;
	s8 =	simm.s32 @!p0 $0x1BF5;
	p2 =	por !p2, p0  }
0x20: {  	[sflag:s8] =	ssyncset.s32 @!p0 $0xFFFFF086;
	s6 =	sadd.s32 @!p0 s3, s7;
	s7 =	simm.s32 @!p0 $0x108  }
0x21: {  	s3 =	sadd.s32 s3, s9;
	s6 =	sadd.s32 @!p0 $0x88, s6;
	s7 =	simm.s32 @p2 $0x1082  }
0x22: {  	[simem:s7], [sflag:s8] =	dma.local @!p0 [hbm:s6], $0xF7A  }
0x23: {  	s9 =	sor.u32 $0xD0000000, s2;
	s6 =	simm.s32 $0x108;
	_ =	swait.ge @!p0 [sflag:s8], $0x0  }
0x24: {  	s3 =	sadd.s32 $0x88, s3;
	s6 =	simm.s32 @!p1 $0x1082;
	[sflag:s4] =	ssyncset.s32 $0xFFFFF086  }
0x25: {  	[simem:s6], [sflag:s4] =	dma.local [hbm:s3], $0xF7A  }
0x26: {  	[smem:$0x3F97] =	sst s1;
	(tag) =	ssettag s2;
	_ =	strace s9  }
0x27: {  	s1 =	sld [smem:$0x3FA7]  }
0x28: {  	s2 =	sld [smem:$0x3FA8]  }
0x29: {  	s4 =	sld [smem:$0x3FAA]  }
0x2a: {  	p0 =	seq.s32 s5, $0x0;
	s5 =	sld [smem:$0x3FAB]  }
0x2b: {  	s6 =	sld [smem:$0x3FAC]  }
0x2c: {  	s7 =	sld [smem:$0x3FAD]  }
0x2d: {  	s3 =	simm.s32 $0x108;
	s8 =	sld [smem:$0x3FAE]  }
0x2e: {  	s3 =	simm.s32 @!p0 $0x1082;
	s9 =	sld [smem:$0x3FAF]  }
0x2f: {  	lr =	sadd.s32 s0, s3;
	s0 =	sld [smem:$0x3FA6]  }
0x30: {  	s3 =	sld [smem:$0x3FA9]  }
0x31: {  	[smem:$0x3FB2] =	sst s10  }
0x32: {  	s10 =	sld [smem:$0x3FB0];
	_ =	sdelay $0x3  }
0x33: {  	p0 =	seq.s32 s10, $0x1;
	s10 =	sld [smem:$0x3FB2];
	_ =	sdelay $0x3  }
0x34: {  	[smem:$0x3FB2] =	sst s10  }
0x35: {  	s10 =	sld [smem:$0x3FB1];
	_ =	sdelay $0x3  }
0x36: {  	p1 =	seq.s32 s10, $0x1;
	s10 =	sld [smem:$0x3FB2];
	_ =	sdelay $0x3  }
0x37: {  	[smem:$0x3FB2] =	sst s10  }
0x38: {  	s10 =	sld [smem:$0x3FB3]  }
0x39: {  	_ = 	snop;
	(pc) =	sbr.ind lr, $3  }
0x3a: {  	_ = 	snop  }
0x3b: {  	_ = 	snop  }
0x3c: {  	p2 =	seq.s32 s10, $0x1;
	s10 =	sld [smem:$0x3FB2]  }
0x3d: {  	_ =	shalt  }
0x3e: {  	_ =	shalt  }
0x3f: {  	_ =	shalt  }
0x40: {  	_ =	shalt  }
0x41: {  	_ =	shalt  }
0x42: {  	_ =	shalt  }
0x43: {  	_ =	shalt  }
0x44: {  	_ =	shalt  }
0x45: {  	_ =	shalt  }
0x46: {  	_ =	shalt  }
0x47: {  	_ =	shalt  }
0x48: {  	_ =	shalt  }
0x49: {  	_ =	shalt  }
0x4a: {  	_ =	shalt  }
0x4b: {  	_ =	shalt  }
0x4c: {  	_ =	shalt  }
0x4d: {  	_ =	shalt  }
0x4e: {  	_ =	shalt  }
0x4f: {  	_ =	shalt  }
0x50: {  	_ =	shalt  }
0x51: {  	_ =	shalt  }
0x52: {  	_ =	shalt  }
0x53: {  	_ =	shalt  }
0x54: {  	_ =	shalt  }
0x55: {  	_ =	shalt  }
0x56: {  	_ =	shalt  }
0x57: {  	_ =	shalt  }
0x58: {  	_ =	shalt  }
0x59: {  	_ =	shalt  }
0x5a: {  	_ =	shalt  }
0x5b: {  	_ =	shalt  }
0x5c: {  	_ =	shalt  }
0x5d: {  	_ =	shalt  }
0x5e: {  	_ =	shalt  }
0x5f: {  	_ =	shalt  }
0x60: {  	_ =	shalt  }
0x61: {  	_ =	shalt  }
0x62: {  	_ =	shalt  }
0x63: {  	_ =	shalt  }
0x64: {  	_ =	shalt  }
0x65: {  	_ =	shalt  }
0x66: {  	_ =	shalt  }
0x67: {  	_ =	shalt  }
0x68: {  	_ =	shalt  }
0x69: {  	_ =	shalt  }
0x6a: {  	_ =	shalt  }
0x6b: {  	_ =	shalt  }
0x6c: {  	_ =	shalt  }
0x6d: {  	_ =	shalt  }
0x6e: {  	_ =	shalt  }
0x6f: {  	_ =	shalt  }
0x70: {  	_ =	shalt  }
0x71: {  	_ =	shalt  }
0x72: {  	_ =	shalt  }
0x73: {  	_ =	shalt  }
0x74: {  	_ =	shalt  }
0x75: {  	_ =	shalt  }
0x76: {  	_ =	shalt  }
0x77: {  	_ =	shalt  }
0x78: {  	_ =	shalt  }
0x79: {  	_ =	shalt  }
0x7a: {  	_ =	shalt  }
0x7b: {  	_ =	shalt  }
0x7c: {  	_ =	shalt  }
0x7d: {  	_ =	shalt  }
0x7e: {  	_ =	shalt  }
0x7f: {  	_ =	shalt  }
0x80: {  	_ =	shalt  }
0x81: {  	_ =	shalt  }
0x82: {  	_ =	shalt  }
0x83: {  	_ =	shalt  }
0x84: {  	_ =	shalt  }
0x85: {  	_ =	shalt  }
0x86: {  	_ =	shalt  }
0x87: {  	_ =	shalt  }
.Lfunc_end0:
.L_simem_size_0:
called_computation_lowered:
.L_overlay_start_0:
0x88: {  	s2 =	sld [smem:$0x3FD9]  }
0x89: {  	s3 =	sld [smem:$0x3FFE];
	_ =	sdelay $0x1  }
0x8a: {  	s1 =	srdreg.scid  }
0x8b: {  	s0 =	sand.u32 $0x1, s1  }
0x8c: {  	s16 =	sshll.u32 s0, $0xA;
	s2 =	sadd.s32 s3, s2  }
0x8d: {  	s2 =	sadd.s32 s2, s16  }
0x8e: {  	[smem:$0x3FBE] =	sst s2  }
0x8f: {  	_ = 	snop  }
0x90: {  	(tm) =	ssettm $0x1  }
0x91: {  	s17 =	sld [smem:$0x3FFB];
	_ =	sdelay $0x3  }
0x92: {  	_ =	strace s17  }
0x93: {  	s2 =	sld [smem:$0x3FFC];
	_ =	sdelay $0x3  }
0x94: {  	_ =	strace s2  }
0x95: {  	s2 =	sld [smem:$0x3FFD];
	_ =	sdelay $0x3  }
0x96: {  	_ =	strace s2  }
0x97: {  	_ =	strace $0x8FFFFFFF  }
0x98: {  	s18 =	sld [smem:$0x3FDB];
	_ =	sdelay $0x1  }
0x99: {  	s19 =	simm.s32 $_scs_section_size  }
0x9a: {  	s4 =	simm.s32 $_size__tile_overlayer_lowered;
	s5 =	simm.s32 $_tile_overlayer_lowered  }
0x9b: {  	s22 =	simm.s32 $0x1BFF;
	s21 =	sshll.u32 s5, $0x1;
	s2 =	sadd.s32 s19, s18  }
0x9c: {  	s6 =	simm.s32 $0x0;
	s20 =	sshll.u32 s4, $0x1;
	s4 =	sadd.s32 s21, s2  }
0x9d: {  	[timem:s6], [sflag:s22] =	dma.local [hbm:s4], s20  }
0x9e: {  	_ =	swait.ge [sflag:s22], s20  }
0x9f: {  	s3 =	ssub.s32 $0x0, s20;
	[sflag:s22] =	ssyncset.done $0x0  }
0xa0: {  	[sflag:s22] =	ssyncadd.s32 s3;
	_ =	sdelay $0x1  }
0xa1: {  	s23 =	simm.s32 $0x1B8B  }
0xa2: {  	_ =	swait.ge [sflag:s23], $0x1  }
0xa3: {  	[sflag:s23] =	ssyncset.done $0x0  }
0xa4: {  	s25 =	simm.s32 $0x1B8E;
	s24 =	sld [smem:$0x3FFE];
	[sflag:s23] =	ssyncadd.s32 $0xFFFFFFFF  }
0xa5: {  	s26 =	simm.s32 $execute0_lowered;
	[smem:$0x3FD2] =	sst s25  }
0xa6: {  	s4 =	sshll.u32 s26, $0x1;
	_ =	strace $0x80000046;
	[dreg:$0x1] =	wrdreg $0xFFFFFFFF  }
0xa7: {  	s28 =	simm.s32 $_size_execute0_lowered;
	s2 =	sadd.s32 s2, s4;
	[dreg:$0x0] =	wrdreg $0x0  }
0xa8: {  	s4 =	sshll.u32 s28, $0x1;
	[dreg:$0x2] =	wrdreg s2  }
0xa9: {  	[dreg:$0x3] =	wrdreg s4  }
0xaa: {  	[dreg:$0x4] =	wrdreg $0xC0  }
0xab: {  	_ =	task [dreg:s6], $0x5FFFF  }
0xac: {  	[dreg:$0x1] =	wrdreg $0xFFFFFFFF  }
0xad: {  	[dreg:$0x0] =	wrdreg $0x60  }
0xae: {  	[dreg:$0x2] =	wrdreg s24  }
0xaf: {  	[dreg:$0x3] =	wrdreg $0x9  }
0xb0: {  	_ =	task.clear_ibuf [dreg:s6], $0x4FFFF;
	_ =	strace $0x90000046  }
0xb1: {  	s29 =	simm.s32 $0x9;
	_ =	strace $0x80000048  }
0xb2: {  	_ =	swait.ge [sflag:s29], $0x1  }
0xb3: {  	[sflag:s29] =	ssyncadd.s32 $0xFFFFFFFF  }
0xb4: {  	_ =	strace $0x90000048  }
0xb5: {  	_ =	sfence  }
0xb6: {  	s30 =	sld [smem:$0x0];
	_ =	sdelay $0x2  }
0xb7: {  	s31 =	sshll.u32 s1, $0xD;
	s1 =	sshrl.u32 s1, $0x2  }
0xb8: {  	s3 =	sand.u32 $0x4000, s31;
	s1 =	sadd.s32 s1, s30  }
0xb9: {  	s0 =	sor.u32 s3, s0;
	s1 =	sshll.u32 s1, $0x11  }
0xba: {  	s0 =	sor.u32 s1, s0  }
0xbb: {  	s0 =	sadd.s32 $0x8F2B, s0  }
0xbc: {  	[sflag:s0] =	ssyncadd.remote.s32 $0x1  }
0xbd: {  	_ =	sfence.sel $0xFFFF  }
0xbe: {  	[dreg:$0x0] =	wrdreg $0xFFFFFFFF;
	(pc) =	sbr.abs _section_cstart, $3  }
0xbf: {  	[dreg:$0x1] =	wrdreg $0xFFFFFFFF  }
0xc0: {  	_ =	task.clear_ibuf [dreg:s6], $0x2FFFF;
	_ =	strace $0x9FFFFFFF  }
0xc1: {  	(tm) =	ssettm $0x7FFFFFFF  }
tec
execute0_lowered:
.L_overlay_start_1:
0x0: {  	(tag) =	ssettag $0x1  }
0x1: {  	s0 =	srdreg.scid  }
0x2: {  	s1 =	stileid.u32;
	s6 =	rddreg [dreg:$0x0]  }
0x3: {  	s3 =	simm.s32 $0x0;
	s14 =	simm.s32 $0xB;
	s15 =	simm.s32 $0x50  }
0x4: {  	s28 =	simm.s32 $0xD750;
	s29 =	simm.s32 $0xF050;
	s30 =	simm.s32 $0x1  }
0x5: {  	s31 =	simm.s32 $0x6;
	s16 =	simm.s32 $0x3;
	s17 =	simm.s32 $0x8  }
0x6: {  	s18 =	simm.s32 $0x4;
	s19 =	simm.s32 $0x9;
	s20 =	simm.s32 $0x5  }
0x7: {  	s21 =	simm.s32 $0xA;
	s0 =	sand.u32 $0x1, s0;
	s1 =	sshll.u32 s1, $0x1  }
0x8: {  	[smem:$0x7FF] =	sst s3;
	s5 =	sadd.s32 $0x495600, s6;
	s1 =	sor.u32 s0, s1  }
0x9: {  	s23 =	simm.s32 $0x0;
	_ =	strace $0x80000047;
	s2 =	smul.u32 $0xC350, s1  }
0xa: {  	s0 =	ssub.s32 $0x2, s0;
	s8 =	smul.u32 $0xC3500, s1;
	s9 =	sshll.u32 s1, $0x1  }
0xb: {  	s10 =	sshrl.u32 s0, $0x1;
	s1 =	smul.u32 $0x186A0, s1;
	s12 =	sadd.s32 s9, s6  }
0xc: {  	s0 =	ssub.s32 s0, s10;
	s4 =	sshrl.u32 s2, $0x3;
	s8 =	sshrl.u32 s8, $0x3  }
.Ltmp0:
0xd: {  	s12 =	sadd.s32 $0x4F7200, s12;
	s13 =	smax.u32 s0, $0x1;
	(pc) =	sbr.rel .LBB2_1-.Ltmp0, $4  }
0xe: {  	s0 =	simm.s32 $0x7;
	s7 =	sadd.s32 s4, s6;
	s4 =	sadd.s32 $0x1800, s6  }
0xf: {  	s25 =	sadd.s32 $0x4C6400, s7;
	s7 =	sadd.s32 s4, s1;
	s26 =	sadd.s32 s4, s8  }
0x10: {  	s1 =	simm.s32 $0x2;
	[dreg:$0x2] =	wrdreg s25;
	s8 =	sadd.s32 $0xA0, s26  }
0x11: {  	s9 =	sadd.s32 $0x140, s26;
	s10 =	sadd.s32 $0x1E0, s26;
	s11 =	sadd.s32 $0x280, s26  }
.LBB2_14:
0x12: {  	s23 =	sadd.s32 $0x1, s23  }
0x13: {  	p0 =	sne.s32 s23, s13  }
.Ltmp1:
0x14: {  	[tilespmem:$0xF550] =	vst v0;
	s6 =	simm.s32 $0xF550;
	(pc) =	sbr.rel @!p0 .LBB2_15-.Ltmp1, $4  }
0x15: {  	[hbm4b:s12+s3] =	stream.linear.scatter [tilespmem:s6], [sflag:$0xB], $0x10, $0x38;
	[tilespmem:$0xF560] =	vst v63  }
0x16: {  	_ =	swait.ge [sflag:s14], $0x10  }
0x17: {  	[sflag:s14] =	ssyncset.done $0x0  }
0x18: {  	[sflag:s14] =	ssyncadd.s32 $0xFFFFFFF0  }
.LBB2_1:
0x19: {  	s6 =	rddreg [dreg:$0x2]  }
0x1a: {  	[tilespmem:s3], [sflag:$0xB] =	stream.linear.gather [hbm4b:s6+s3], $0xC350, $0x38;
	[tilespmem:$0xF560] =	vst v63  }
0x1b: {  	_ =	swait.ge [sflag:s14], $0xC350  }
0x1c: {  	[sflag:s14] =	ssyncset.done $0x0  }
0x1d: {  	s25 =	simm.s32 $0xC350;
	[sflag:s14] =	ssyncadd.s32 $0xFFFF3CB0  }
0x1e: {  	[tilespmem:s25], [sflag:$0x1] =	stream.indirect.gather [hbm4b:s5+s15], $0x10, s3, s15, $0xb8;
	[tilespmem:$0xF560] =	vst v63  }
0x1f: {  	s26 =	simm.s32 $0xDC50  }
0x20: {  	[tilespmem:s26], [sflag:$0x6] =	stream.linear.gather [hbm4b:s7+s3], $0x500, $0x38;
	[tilespmem:$0xF560] =	vst v63  }
0x21: {  	s22 =	simm.s32 $0xC850  }
0x22: {  	[tilespmem:s22], [sflag:$0x2] =	stream.indirect.gather [hbm4b:s5+s15], $0x10, s15, s15, $0xb8;
	[tilespmem:$0xF560] =	vst v63  }
0x23: {  	s24 =	simm.s32 $0xE150  }
0x24: {  	[tilespmem:s24], [sflag:$0x7] =	stream.linear.gather [hbm4b:s8+s3], $0x500, $0x38;
	[tilespmem:$0xF560] =	vst v63  }
0x25: {  	s25 =	simm.s32 $0xA0;
	s22 =	simm.s32 $0xCD50  }
0x26: {  	[tilespmem:s22], [sflag:$0x3] =	stream.indirect.gather [hbm4b:s5+s15], $0x10, s25, s15, $0xb8;
	[tilespmem:$0xF560] =	vst v63  }
0x27: {  	s26 =	simm.s32 $0xE650  }
0x28: {  	[tilespmem:s26], [sflag:$0x8] =	stream.linear.gather [hbm4b:s9+s3], $0x500, $0x38;
	[tilespmem:$0xF560] =	vst v63  }
0x29: {  	s24 =	simm.s32 $0xD250;
	s22 =	simm.s32 $0xF0  }
0x2a: {  	[tilespmem:s24], [sflag:$0x4] =	stream.indirect.gather [hbm4b:s5+s15], $0x10, s22, s15, $0xb8;
	[tilespmem:$0xF560] =	vst v63  }
0x2b: {  	s25 =	simm.s32 $0xEB50  }
0x2c: {  	[tilespmem:s25], [sflag:$0x9] =	stream.linear.gather [hbm4b:s10+s3], $0x500, $0x38;
	[tilespmem:$0xF560] =	vst v63  }
0x2d: {  	s26 =	simm.s32 $0x140  }
0x2e: {  	[tilespmem:s28], [sflag:$0x5] =	stream.indirect.gather [hbm4b:s5+s15], $0x10, s26, s15, $0xb8;
	[tilespmem:$0xF560] =	vst v63  }
0x2f: {  	s24 =	simm.s32 $0x0  }
0x30: {  	v0 =	vimm.f32 $0.0e+00;
	[tilespmem:s29], [sflag:$0xA] =	stream.linear.gather [hbm4b:s11+s3], $0x500, $0x38;
	[tilespmem:$0xF560] =	vst v63  }
.LBB2_2:
0x31: {  	_ =	swait.ge [sflag:s30], $0x500  }
0x32: {  	[sflag:s30] =	ssyncset.done $0x0  }
0x33: {  	[sflag:s30] =	ssyncadd.s32 $0xFFFFFB00  }
0x34: {  	_ =	swait.ge [sflag:s31], $0x500  }
0x35: {  	[sflag:s31] =	ssyncset.done $0x0  }
0x36: {  	s26 =	simm.s32 $0x0;
	[sflag:s31] =	ssyncadd.s32 $0xFFFFFB00  }
0x37: {  	v1 =	vld [tilespmem:s26+$0xDC50]  }
0x38: {  	s25 =	simm.s32 $0x40;
	v2 =	vld [tilespmem:s26+$0xC350]  }
.LBB2_3:
0x39: {  	_ = 	snop  }
0x3a: {  	p0 =	sne.s32 s25, $0x13C0  }
.Ltmp2:
0x3b: {  	_ = 	snop;
	(pc) =	sbr.rel @p0 .LBB2_3-.Ltmp2, $4  }
0x3c: {  	_ = 	snop  }
0x3d: {  	s26 =	sshra.s32 s25, $0x2;
	v3 =	vmul.f32 v2, v1  }
0x3e: {  	v1 =	vld [tilespmem:s26+$0xDC50]  }
0x3f: {  	s25 =	sadd.s32 $0x40, s25;
	v2 =	vld [tilespmem:s26+$0xC350];
	v0 =	vadd.f32 v3, v0  }
0x40: {  	p0 =	seq.s32 s24, $0x7C  }
0x41: {  	s25 =	smul.u32 @!p0 $0x190, s24;
	_ =	sdelay $0x1  }
0x42: {  	s22 =	simm.s32 @!p0 $0x50;
	s6 =	simm.s32 @!p0 $0xC350;
	s26 =	sadd.s32 @!p0 $0x190, s25  }
0x43: {  	[tilespmem:s6], [sflag:$0x1] =	stream.indirect.gather @!p0 [hbm4b:s5+s22], $0x10, s26, s22, $0xb8;
	[tilespmem:$0xF560] =	vst v63  }
0x44: {  	s6 =	sadd.s32 @!p0 s2, s26  }
0x45: {  	s6 =	sshll.u32 @!p0 s6, $0x1  }
0x46: {  	s6 =	sand.u32 @!p0 $0x1FFFFFE0, s6  }
0x47: {  	s22 =	simm.s32 @!p0 $0x0;
	s26 =	simm.s32 @!p0 $0xDC50;
	s6 =	sadd.s32 @!p0 s4, s6  }
0x48: {  	[tilespmem:s26], [sflag:$0x6] =	stream.linear.gather @!p0 [hbm4b:s6+s22], $0x500, $0x38;
	[tilespmem:$0xF560] =	vst v63  }
0x49: {  	_ =	swait.ge [sflag:s1], $0x500  }
0x4a: {  	[sflag:s1] =	ssyncset.done $0x0  }
0x4b: {  	[sflag:s1] =	ssyncadd.s32 $0xFFFFFB00  }
0x4c: {  	_ =	swait.ge [sflag:s0], $0x500  }
0x4d: {  	[sflag:s0] =	ssyncset.done $0x0  }
0x4e: {  	v2 =	vmul.f32 v2, v1;
	s22 =	simm.s32 $0x0;
	[sflag:s0] =	ssyncadd.s32 $0xFFFFFB00  }
0x4f: {  	v1 =	vld [tilespmem:s22+$0xE150]  }
0x50: {  	v0 =	vadd.f32 v2, v0;
	s26 =	simm.s32 $0x40;
	v2 =	vld [tilespmem:s22+$0xC850]  }
.LBB2_5:
0x51: {  	_ = 	snop  }
0x52: {  	p1 =	sne.s32 s26, $0x13C0  }
.Ltmp3:
0x53: {  	_ = 	snop;
	(pc) =	sbr.rel @p1 .LBB2_5-.Ltmp3, $4  }
0x54: {  	_ = 	snop  }
0x55: {  	s6 =	sshra.s32 s26, $0x2;
	v3 =	vmul.f32 v2, v1  }
0x56: {  	v1 =	vld [tilespmem:s6+$0xE150]  }
0x57: {  	s26 =	sadd.s32 $0x40, s26;
	v2 =	vld [tilespmem:s6+$0xC850];
	v0 =	vadd.f32 v3, v0  }
0x58: {  	s6 =	sadd.s32 @!p0 $0x1E0, s25;
	s22 =	simm.s32 @!p0 $0x50;
	s26 =	simm.s32 @!p0 $0xC850  }
0x59: {  	[tilespmem:s26], [sflag:$0x2] =	stream.indirect.gather @!p0 [hbm4b:s5+s22], $0x10, s6, s22, $0xb8;
	[tilespmem:$0xF560] =	vst v63  }
0x5a: {  	s6 =	sadd.s32 @!p0 s2, s6  }
0x5b: {  	s6 =	sshll.u32 @!p0 s6, $0x1  }
0x5c: {  	s6 =	sand.u32 @!p0 $0x1FFFFFE0, s6  }
0x5d: {  	s22 =	simm.s32 @!p0 $0x0;
	s26 =	simm.s32 @!p0 $0xE150;
	s6 =	sadd.s32 @!p0 s4, s6  }
0x5e: {  	[tilespmem:s26], [sflag:$0x7] =	stream.linear.gather @!p0 [hbm4b:s6+s22], $0x500, $0x38;
	[tilespmem:$0xF560] =	vst v63  }
0x5f: {  	_ =	swait.ge [sflag:s16], $0x500  }
0x60: {  	[sflag:s16] =	ssyncset.done $0x0  }
0x61: {  	[sflag:s16] =	ssyncadd.s32 $0xFFFFFB00  }
0x62: {  	_ =	swait.ge [sflag:s17], $0x500  }
0x63: {  	[sflag:s17] =	ssyncset.done $0x0  }
0x64: {  	v2 =	vmul.f32 v2, v1;
	s22 =	simm.s32 $0x0;
	[sflag:s17] =	ssyncadd.s32 $0xFFFFFB00  }
0x65: {  	v1 =	vld [tilespmem:s22+$0xE650]  }
0x66: {  	s26 =	simm.s32 $0x40;
	v0 =	vadd.f32 v2, v0;
	v2 =	vld [tilespmem:s22+$0xCD50]  }
.LBB2_7:
0x67: {  	_ = 	snop  }
0x68: {  	p1 =	sne.s32 s26, $0x13C0  }
.Ltmp4:
0x69: {  	_ = 	snop;
	(pc) =	sbr.rel @p1 .LBB2_7-.Ltmp4, $4  }
0x6a: {  	_ = 	snop  }
0x6b: {  	s6 =	sshra.s32 s26, $0x2;
	v3 =	vmul.f32 v2, v1  }
0x6c: {  	v1 =	vld [tilespmem:s6+$0xE650]  }
0x6d: {  	s26 =	sadd.s32 $0x40, s26;
	v2 =	vld [tilespmem:s6+$0xCD50];
	v0 =	vadd.f32 v3, v0  }
0x6e: {  	s6 =	sadd.s32 @!p0 $0x230, s25;
	s22 =	simm.s32 @!p0 $0x50;
	s26 =	simm.s32 @!p0 $0xCD50  }
0x6f: {  	[tilespmem:s26], [sflag:$0x3] =	stream.indirect.gather @!p0 [hbm4b:s5+s22], $0x10, s6, s22, $0xb8;
	[tilespmem:$0xF560] =	vst v63  }
0x70: {  	s6 =	sadd.s32 @!p0 s2, s6  }
0x71: {  	s6 =	sshll.u32 @!p0 s6, $0x1  }
0x72: {  	s6 =	sand.u32 @!p0 $0x1FFFFFE0, s6  }
0x73: {  	s22 =	simm.s32 @!p0 $0x0;
	s26 =	simm.s32 @!p0 $0xE650;
	s6 =	sadd.s32 @!p0 s4, s6  }
0x74: {  	[tilespmem:s26], [sflag:$0x8] =	stream.linear.gather @!p0 [hbm4b:s6+s22], $0x500, $0x38;
	[tilespmem:$0xF560] =	vst v63  }
0x75: {  	_ =	swait.ge [sflag:s18], $0x500  }
0x76: {  	[sflag:s18] =	ssyncset.done $0x0  }
0x77: {  	[sflag:s18] =	ssyncadd.s32 $0xFFFFFB00  }
0x78: {  	_ =	swait.ge [sflag:s19], $0x500  }
0x79: {  	[sflag:s19] =	ssyncset.done $0x0  }
0x7a: {  	v2 =	vmul.f32 v2, v1;
	s22 =	simm.s32 $0x0;
	[sflag:s19] =	ssyncadd.s32 $0xFFFFFB00  }
0x7b: {  	v1 =	vld [tilespmem:s22+$0xEB50]  }
0x7c: {  	s26 =	simm.s32 $0x40;
	v0 =	vadd.f32 v2, v0;
	v2 =	vld [tilespmem:s22+$0xD250]  }
.LBB2_9:
0x7d: {  	_ = 	snop  }
0x7e: {  	p1 =	sne.s32 s26, $0x13C0  }
.Ltmp5:
0x7f: {  	_ = 	snop;
	(pc) =	sbr.rel @p1 .LBB2_9-.Ltmp5, $4  }
0x80: {  	_ = 	snop  }
0x81: {  	s6 =	sshra.s32 s26, $0x2;
	v3 =	vmul.f32 v2, v1  }
0x82: {  	v1 =	vld [tilespmem:s6+$0xEB50]  }
0x83: {  	s26 =	sadd.s32 $0x40, s26;
	v2 =	vld [tilespmem:s6+$0xD250];
	v0 =	vadd.f32 v3, v0  }
0x84: {  	s6 =	sadd.s32 @!p0 $0x280, s25;
	s22 =	simm.s32 @!p0 $0x50;
	s25 =	simm.s32 @!p0 $0xD250  }
0x85: {  	[tilespmem:s25], [sflag:$0x4] =	stream.indirect.gather @!p0 [hbm4b:s5+s22], $0x10, s6, s22, $0xb8;
	[tilespmem:$0xF560] =	vst v63  }
0x86: {  	s6 =	sadd.s32 @!p0 s2, s6  }
0x87: {  	s6 =	sshll.u32 @!p0 s6, $0x1  }
0x88: {  	s6 =	sand.u32 @!p0 $0x1FFFFFE0, s6  }
0x89: {  	s22 =	simm.s32 @!p0 $0x0;
	s25 =	simm.s32 @!p0 $0xEB50;
	s6 =	sadd.s32 @!p0 s4, s6  }
0x8a: {  	[tilespmem:s25], [sflag:$0x9] =	stream.linear.gather @!p0 [hbm4b:s6+s22], $0x500, $0x38;
	[tilespmem:$0xF560] =	vst v63  }
0x8b: {  	_ =	swait.ge [sflag:s20], $0x500  }
0x8c: {  	[sflag:s20] =	ssyncset.done $0x0  }
0x8d: {  	[sflag:s20] =	ssyncadd.s32 $0xFFFFFB00  }
0x8e: {  	_ =	swait.ge [sflag:s21], $0x500  }
0x8f: {  	[sflag:s21] =	ssyncset.done $0x0  }
0x90: {  	s26 =	simm.s32 $0x0;
	v2 =	vmul.f32 v2, v1;
	[sflag:s21] =	ssyncadd.s32 $0xFFFFFB00  }
0x91: {  	v1 =	vld [tilespmem:s26+$0xF050]  }
0x92: {  	s25 =	simm.s32 $0x40;
	v0 =	vadd.f32 v2, v0;
	v2 =	vld [tilespmem:s26+$0xD750]  }
.LBB2_11:
0x93: {  	_ = 	snop  }
0x94: {  	p1 =	sne.s32 s25, $0x13C0  }
.Ltmp6:
0x95: {  	_ = 	snop;
	(pc) =	sbr.rel @p1 .LBB2_11-.Ltmp6, $4  }
0x96: {  	_ = 	snop  }
0x97: {  	s6 =	sshra.s32 s25, $0x2;
	v3 =	vmul.f32 v2, v1  }
0x98: {  	v1 =	vld [tilespmem:s6+$0xF050]  }
0x99: {  	s25 =	sadd.s32 $0x40, s25;
	v2 =	vld [tilespmem:s6+$0xD750];
	v0 =	vadd.f32 v3, v0  }
0x9a: {  	_ =	sdelay $0x1  }
.Ltmp7:
0x9b: {  	_ = 	snop;
	(pc) =	sbr.rel @p0 .LBB2_14-.Ltmp7, $3  }
0x9c: {  	_ = 	snop  }
0x9d: {  	v1 =	vmul.f32 v2, v1;
	_ =	sdelay $0x1  }
0x9e: {  	v0 =	vadd.f32 v1, v0  }
0x9f: {  	s6 =	smul.u32 $0x190, s24;
	_ =	sdelay $0x1  }
0xa0: {  	s6 =	sadd.s32 $0x2D0, s6  }
0xa1: {  	[tilespmem:s28], [sflag:$0x5] =	stream.indirect.gather [hbm4b:s5+s15], $0x10, s6, s15, $0xb8;
	[tilespmem:$0xF560] =	vst v63  }
.Ltmp8:
0xa2: {  	s6 =	sadd.s32 s2, s6;
	(pc) =	sbr.rel .LBB2_2-.Ltmp8, $4  }
0xa3: {  	s6 =	sshll.u32 s6, $0x1  }
0xa4: {  	s6 =	sand.u32 $0x1FFFFFE0, s6  }
0xa5: {  	s24 =	sadd.s32 $0x1, s24;
	s6 =	sadd.s32 s4, s6  }
0xa6: {  	[tilespmem:s29], [sflag:$0xA] =	stream.linear.gather [hbm4b:s6+s3], $0x500, $0x38;
	[tilespmem:$0xF560] =	vst v63  }
.LBB2_15:
0xa7: {  	_ =	sfence.sel $0x180000  }
0xa8: {  	[bflag:$0x0] =	sbarrier.arrive $0xFFFF  }
0xa9: {  	_ =	strace $0x90000047  }
0xaa: {  	s0 =	stileid.u32;
	[bflag:$0x2] =	sbarrier.arrive $0xFFFF  }
0xab: {  	p0 =	sne.s32 s0, $0x0;
	s0 =	rddreg [dreg:$0x1]  }
0xac: {  	s0 =	sadd.s32 @!p0 $0x100000, s0  }
0xad: {  	[sflag:s0] =	ssyncadd.tile.s32 @!p0 $0x1;
	_ =	shalt  }
.Lfunc_end2:
_tile_overlayer_lowered:
.L_overlay_start_2:
0xae: {  	(tag) =	ssettag $0x2  }
0xaf: {  	s0 =	rddreg [dreg:$0x0];
	s2 =	stileid.u32  }
0xb0: {  	s1 =	rddreg [dreg:$0x1];
	p0 =	sne.s32 s2, $0x0  }
0xb1: {  	s3 =	rddreg [dreg:$0x2];
	[bflag:$0x3] =	sbarrier.arrive $0xFFFF;
	s2 =	simm.s32 @!p0 $0x1C0B  }
0xb2: {  	[timem:s3], [sflag:s2] =	dma.local @!p0 [hbm:s0], s1  }
0xb3: {  	s0 =	simm.s32 @!p0 $0xB  }
0xb4: {  	_ =	swait.ge @!p0 [sflag:s0], s1  }
0xb5: {  	s1 =	ssub.s32 @!p0 $0x0, s1;
	[sflag:s0] =	ssyncset.done @!p0 $0x0  }
0xb6: {  	[sflag:s0] =	ssyncadd.s32 @!p0 s1  }
0xb7: {  	[bflag:$0x3] =	sbarrier.arrive $0xFFFF  }
0xb8: {  	_ =	shalt  }

</sc_bundles>
